<compile_context>
chip_gen: v7x
topology: tpu7x:2x2x1
jax: 0.10.2.dev20260603
libtpu: 0.0.44.dev20260713+nightly
codegen_flags: <defaults>
</compile_context>

<pallas_src>
import functools

import jax
import jax.numpy as jnp
from jax import lax
from jax.experimental import pallas as pl
from jax.experimental.pallas import tpu as pltpu
from jax.experimental.pallas import tpu_sc as plsc

F32 = jnp.float32
CHUNK = 128
NW = 32



def _proj_body(nf_ref, ws_ref, wr_ref, ps_ref, pr_ref):
    nf = nf_ref[...]
    ps_ref[...] = jnp.dot(nf, ws_ref[...], preferred_element_type=F32)
    pr_ref[...] = jnp.dot(nf, wr_ref[...], preferred_element_type=F32)


def _edge_body(ef_ref, gs_ref, gr_ref, we_ref, be1_ref, we2_ref, be2_ref,
               sc_ref, bi_ref, ue_ref, ne_ref):
    ef = ef_ref[...]
    x = (gs_ref[0] + gr_ref[0] + be1_ref[...]
         + jnp.dot(ef, we_ref[...], preferred_element_type=F32))
    h = jnp.maximum(x, 0.0)
    y = jnp.dot(h, we2_ref[...], preferred_element_type=F32) + be2_ref[...]
    mean = jnp.mean(y, axis=-1, keepdims=True)
    var = jnp.mean((y - mean) ** 2, axis=-1, keepdims=True)
    ue = (y - mean) / jnp.sqrt(var + 1e-5) * sc_ref[...] + bi_ref[...]
    ue_ref[...] = ue
    ne_ref[...] = ue + ef


def _node_body(nf_ref, p0_ref, p1_ref, wa_ref, wb_ref, bn1_ref, wn2_ref,
               bn2_ref, sc_ref, bi_ref, out_ref):
    nf = nf_ref[...]
    agg = p0_ref[...] + p1_ref[...]
    x = (jnp.dot(nf, wa_ref[...], preferred_element_type=F32)
         + jnp.dot(agg, wb_ref[...], preferred_element_type=F32)
         + bn1_ref[...])
    h = jnp.maximum(x, 0.0)
    y = jnp.dot(h, wn2_ref[...], preferred_element_type=F32) + bn2_ref[...]
    mean = jnp.mean(y, axis=-1, keepdims=True)
    var = jnp.mean((y - mean) ** 2, axis=-1, keepdims=True)
    out_ref[...] = ((y - mean) / jnp.sqrt(var + 1e-5) * sc_ref[...]
                    + bi_ref[...] + nf)



def _tc_proj(nf, ws, wr):
    n, d = nf.shape
    bn = 2000
    return pl.pallas_call(
        _proj_body,
        grid=(n // bn,),
        in_specs=[
            pl.BlockSpec((bn, d), lambda i: (i, 0)),
            pl.BlockSpec((d, d), lambda i: (0, 0)),
            pl.BlockSpec((d, d), lambda i: (0, 0)),
        ],
        out_specs=(pl.BlockSpec((bn, d), lambda i: (i, 0)),
                   pl.BlockSpec((bn, d), lambda i: (i, 0))),
        out_shape=(jax.ShapeDtypeStruct((n, d), F32),
                   jax.ShapeDtypeStruct((n, d), F32)),
    )(nf, ws, wr)


def _tc_edge(ef, g2, we, be1, we2, be2, sc, bi):
    e, d = ef.shape
    be = 2000
    row = lambda i: (i, 0)
    cst = lambda i: (0, 0)
    return pl.pallas_call(
        _edge_body,
        grid=(e // be,),
        in_specs=[
            pl.BlockSpec((be, d), row),
            pl.BlockSpec((1, be, d), lambda i: (0, i, 0)),
            pl.BlockSpec((1, be, d), lambda i: (1, i, 0)),
            pl.BlockSpec((d, d), cst),
            pl.BlockSpec((1, d), cst),
            pl.BlockSpec((d, d), cst),
            pl.BlockSpec((1, d), cst),
            pl.BlockSpec((1, d), cst),
            pl.BlockSpec((1, d), cst),
        ],
        out_specs=(pl.BlockSpec((be, d), row), pl.BlockSpec((be, d), row)),
        out_shape=(jax.ShapeDtypeStruct((e, d), F32),
                   jax.ShapeDtypeStruct((e, d), F32)),
    )(ef, g2, g2, we, be1, we2, be2, sc, bi)


def _tc_node(nf, p0, p1, wa, wb, bn1, wn2, bn2, sc, bi):
    n, d = nf.shape
    bn = 2000
    row = lambda i: (i, 0)
    cst = lambda i: (0, 0)
    return pl.pallas_call(
        _node_body,
        grid=(n // bn,),
        in_specs=[
            pl.BlockSpec((bn, d), row),
            pl.BlockSpec((bn, d), row),
            pl.BlockSpec((bn, d), row),
            pl.BlockSpec((d, d), cst),
            pl.BlockSpec((d, d), cst),
            pl.BlockSpec((1, d), cst),
            pl.BlockSpec((d, d), cst),
            pl.BlockSpec((1, d), cst),
            pl.BlockSpec((1, d), cst),
            pl.BlockSpec((1, d), cst),
        ],
        out_specs=pl.BlockSpec((bn, d), row),
        out_shape=jax.ShapeDtypeStruct((n, d), F32),
    )(nf, p0, p1, wa, wb, bn1, wn2, bn2, sc, bi)



@functools.lru_cache(maxsize=None)
def _make_gather(n_nodes, n_chunks, d):
    mesh = plsc.VectorSubcoreMesh(core_axis_name="c", subcore_axis_name="s")
    e_pad = n_chunks * CHUNK
    NS = 16
    n_full = n_chunks // NS
    assert n_full >= 4 and n_full % 2 == 0
    stripe = ((n_nodes // NS) // 8 + 1) * 8
    last = n_nodes - 15 * stripe
    assert 0 < last <= stripe

    @functools.partial(
        pl.kernel,
        out_type=jax.ShapeDtypeStruct((2, e_pad, d), F32),
        mesh=mesh,
        scratch_types=[
            pltpu.VMEM((CHUNK,), jnp.int32),
            pltpu.VMEM((CHUNK,), jnp.int32),
            pltpu.VMEM((CHUNK, d), F32),
            pltpu.VMEM((CHUNK, d), F32),
            pltpu.VMEM_SHARED((n_nodes, d), F32),
            pltpu.SemaphoreType.DMA,
            pltpu.SemaphoreType.DMA,
            pltpu.SemaphoreType.DMA,
            pltpu.SemaphoreType.DMA,
            pltpu.SemaphoreType.DMA,
            pltpu.SemaphoreType.DMA,
        ],
    )
    def gather_k(ps_hbm, pr_hbm, sidx_hbm, ridx_hbm, out_hbm,
                 ib0, ib1, rv0, rv1, tbl_sh, is0, is1, gs0, gs1, ws0, ws1):
        cid = lax.axis_index("c")
        sid = lax.axis_index("s")
        B = ((ib0, rv0, is0, gs0, ws0), (ib1, rv1, is1, gs1, ws1))

        @pl.when(sid < 15)
        def _():
            sl = pl.ds(sid * stripe, stripe)

            @pl.when(cid == 0)
            def _():
                pltpu.sync_copy(ps_hbm.at[sl], tbl_sh.at[sl])

            @pl.when(cid == 1)
            def _():
                pltpu.sync_copy(pr_hbm.at[sl], tbl_sh.at[sl])

        @pl.when(sid == 15)
        def _():
            sl = pl.ds(15 * stripe, last)

            @pl.when(cid == 0)
            def _():
                pltpu.sync_copy(ps_hbm.at[sl], tbl_sh.at[sl])

            @pl.when(cid == 1)
            def _():
                pltpu.sync_copy(pr_hbm.at[sl], tbl_sh.at[sl])

        plsc.subcore_barrier()

        def load_idx(j, b):
            ib, _, isem, _, _ = B[b]
            c = j * NS + sid

            @pl.when(cid == 0)
            def _():
                pltpu.async_copy(sidx_hbm.at[pl.ds(c * CHUNK, CHUNK)], ib,
                                 isem)

            @pl.when(cid == 1)
            def _():
                pltpu.async_copy(ridx_hbm.at[pl.ds(c * CHUNK, CHUNK)], ib,
                                 isem)

        def wait_idx(b):
            ib, _, isem, _, _ = B[b]
            pltpu.make_async_copy(
                sidx_hbm.at[pl.ds(0, CHUNK)], ib, isem).wait()

        def stage(j, b, first):
            ib, rv, isem, gsem, wsem = B[b]
            ib2, rv2, isem2, gsem2, wsem2 = B[1 - b]
            c = j * NS + sid
            pltpu.make_async_copy(tbl_sh.at[ib], rv, gsem).wait()
            load_idx(j + 2, b)
            wait_idx(1 - b)
            if not first:
                pltpu.make_async_copy(
                    rv2, out_hbm.at[cid, pl.ds(0, CHUNK)], wsem2).wait()
            pltpu.async_copy(tbl_sh.at[ib2], rv2, gsem2)
            pltpu.async_copy(rv, out_hbm.at[cid, pl.ds(c * CHUNK, CHUNK)],
                             wsem)

        load_idx(0, 0)
        wait_idx(0)
        pltpu.async_copy(tbl_sh.at[ib0], rv0, gs0)
        load_idx(1, 1)
        stage(0, 0, True)
        stage(1, 1, False)

        def body(i, carry):
            stage(2 * i, 0, False)
            stage(2 * i + 1, 1, False)
            return carry

        lax.fori_loop(1, n_full // 2, body, 0)
        pltpu.make_async_copy(tbl_sh.at[ib0], rv0, gs0).wait()
        pltpu.make_async_copy(rv1, out_hbm.at[cid, pl.ds(0, CHUNK)],
                              ws1).wait()
        pltpu.make_async_copy(sidx_hbm.at[pl.ds(0, CHUNK)], ib1, is1).wait()

    return gather_k


@functools.lru_cache(maxsize=None)
def _make_scatter(n_nodes, n_chunks, d):
    mesh = plsc.VectorSubcoreMesh(core_axis_name="c", subcore_axis_name="s")
    n_pad = ((n_nodes + 127) // 128) * 128
    rows_per_tile = n_pad // 16
    nz_full = rows_per_tile // CHUNK
    nz_rem = rows_per_tile % CHUNK

    n_full = n_chunks // NW
    extra = n_chunks % NW
    assert n_full >= 6 and n_full % 3 == 0

    @functools.partial(
        pl.kernel,
        out_type=jax.ShapeDtypeStruct((2, n_pad, d), F32),
        mesh=mesh,
        scratch_types=[
            pltpu.VMEM((CHUNK,), jnp.int32),
            pltpu.VMEM((CHUNK,), jnp.int32),
            pltpu.VMEM((CHUNK,), jnp.int32),
            pltpu.VMEM((CHUNK, d), F32),
            pltpu.VMEM((CHUNK, d), F32),
            pltpu.VMEM((CHUNK, d), F32),
            pltpu.VMEM_SHARED((n_pad, d), F32),
            pltpu.SemaphoreType.DMA,
            pltpu.SemaphoreType.DMA,
            pltpu.SemaphoreType.DMA,
            pltpu.SemaphoreType.DMA,
            pltpu.SemaphoreType.DMA,
            pltpu.SemaphoreType.DMA,
            pltpu.SemaphoreType.DMA,
            pltpu.SemaphoreType.DMA,
            pltpu.SemaphoreType.DMA,
        ],
    )
    def scatter_k(ue_hbm, ridx_hbm, out_hbm, ib0, ib1, ib2, rv0, rv1, rv2,
                  acc_sh, is0, is1, is2, rs0, rs1, rs2, ss0, ss1, ss2):
        cid = lax.axis_index("c")
        sid = lax.axis_index("s")
        wid = sid * 2 + cid
        B = ((ib0, rv0, is0, rs0, ss0),
             (ib1, rv1, is1, rs1, ss1),
             (ib2, rv2, is2, rs2, ss2))

        def issue(j, b):
            ib, rv, isem, rsem, _ = B[b]
            c = j * NW + wid

            @pl.when(c < n_chunks)
            def _():
                pltpu.async_copy(ridx_hbm.at[pl.ds(c * CHUNK, CHUNK)], ib,
                                 isem)
                pltpu.async_copy(ue_hbm.at[pl.ds(c * CHUNK, CHUNK)], rv,
                                 rsem)

        def drain_add(b):
            ib, rv, _, _, ssem = B[b]
            pltpu.make_async_copy(rv, acc_sh.at[ib], ssem).wait()

        def stage(j, b, first):
            ib, rv, isem, rsem, ssem = B[b]
            b2 = (b + 2) % 3
            pltpu.make_async_copy(
                ridx_hbm.at[pl.ds(0, CHUNK)], ib, isem).wait()
            pltpu.make_async_copy(
                ue_hbm.at[pl.ds(0, CHUNK)], rv, rsem).wait()
            pltpu.async_copy(rv, acc_sh.at[ib], ssem, add=True)
            if not first:
                drain_add(b2)
            issue(j + 2, b2)

        def zb(i, carry):
            r = i // (d // 16)
            q = (i % (d // 16)) * 16
            rv0[r, pl.ds(q, 16)] = jnp.zeros((16,), F32)
            return carry

        lax.fori_loop(0, CHUNK * (d // 16), zb, 0)
        base = sid * rows_per_tile
        for t in range(nz_full):
            pltpu.sync_copy(rv0, acc_sh.at[pl.ds(base + t * CHUNK, CHUNK)])
        if nz_rem:
            pltpu.sync_copy(
                rv0.at[pl.ds(0, nz_rem)],
                acc_sh.at[pl.ds(base + nz_full * CHUNK, nz_rem)])
        plsc.subcore_barrier()

        issue(0, 0)
        issue(1, 1)
        stage(0, 0, True)
        stage(1, 1, False)
        stage(2, 2, False)

        def body(i, carry):
            j0 = 3 * i
            stage(j0, 0, False)
            stage(j0 + 1, 1, False)
            stage(j0 + 2, 2, False)
            return carry

        lax.fori_loop(1, n_full // 3, body, 0)
        if extra:
            @pl.when(wid < extra)
            def _():
                stage(n_full, n_full % 3, True)
        drain_add((n_full - 1) % 3)
        if extra:
            @pl.when(wid < extra)
            def _():
                drain_add(n_full % 3)
        plsc.subcore_barrier()
        for t in range(nz_full):
            sl = pl.ds(base + t * CHUNK, CHUNK)
            pltpu.sync_copy(acc_sh.at[sl], out_hbm.at[cid, sl])
        if nz_rem:
            sl = pl.ds(base + nz_full * CHUNK, nz_rem)
            pltpu.sync_copy(acc_sh.at[sl], out_hbm.at[cid, sl])

    return scatter_k



def kernel(node_features, edge_features, senders, receivers,
           We1, be1, We2, be2, ln_e_scale, ln_e_bias,
           Wn1, bn1, Wn2, bn2, ln_n_scale, ln_n_bias):
    n, d = node_features.shape
    e = edge_features.shape[0]
    n_chunks = e // CHUNK

    sidx = senders.astype(jnp.int32)
    ridx = receivers.astype(jnp.int32)

    ns2 = 2 * 16
    n_chunks_g = ((n_chunks + ns2 - 1) // ns2) * ns2
    e_pad = (n_chunks_g + ns2) * CHUNK
    sidx_p = jnp.pad(sidx, (0, e_pad - e))
    ridx_p = jnp.pad(ridx, (0, e_pad - e))

    ws, wr, we = We1[:d], We1[d:2 * d], We1[2 * d:]
    ps, pr = _tc_proj(node_features, ws, wr)
    g2 = _make_gather(n, n_chunks_g, d)(ps, pr, sidx_p, ridx_p)
    ue, ne = _tc_edge(edge_features, g2, we,
                      be1.reshape(1, d), We2, be2.reshape(1, d),
                      ln_e_scale.reshape(1, d), ln_e_bias.reshape(1, d))
    agg2 = _make_scatter(n, n_chunks, d)(ue, ridx)
    new_nodes = _tc_node(node_features, agg2[0, :n], agg2[1, :n],
                         Wn1[:d], Wn1[d:], bn1.reshape(1, d),
                         Wn2, bn2.reshape(1, d),
                         ln_n_scale.reshape(1, d), ln_n_bias.reshape(1, d))
    return (new_nodes, ne)

# --- scband reference (transcript-rebuilt; emitter-appended) ---
"""Pipeline reference for scband-graph-net-block-11527692223053 (READ-ONLY COPY).

The authoritative reference and input builder live on the scoring server;
editing this copy changes nothing except your own understanding.
"""

import jax, jax.numpy as jnp
import numpy as np

N = 10000
E = 320000
D = 128
H = 128


def _mlp(x, W1, b1, W2, b2, scale, bias):
    h = jax.nn.relu(x @ W1 + b1)
    y = h @ W2 + b2
    mean = jnp.mean(y, axis=-1, keepdims=True)
    var = jnp.var(y, axis=-1, keepdims=True)
    return (y - mean) / jnp.sqrt(var + 1e-5) * scale + bias


def setup_inputs(seed: int = 0) -> dict:
    key = jax.random.key(seed)
    ks = jax.random.split(key, 10)

    def lin(k, fi, fo):
        return (jax.random.normal(k, (fi, fo), dtype=jnp.float32) / np.sqrt(fi)).astype(jnp.float32)

    node_features = jax.random.normal(ks[0], (N, D), dtype=jnp.float32)
    edge_features = jax.random.normal(ks[1], (E, D), dtype=jnp.float32)
    senders = jax.random.randint(ks[2], (E,), 0, N, dtype=jnp.int64)
    receivers = jax.random.randint(ks[3], (E,), 0, N, dtype=jnp.int64)

    # edge model: concat(sender, receiver, edge) = 3*D -> H -> D, + LayerNorm
    We1 = lin(ks[4], 3 * D, H)
    be1 = jnp.zeros((H,), dtype=jnp.float32)
    We2 = lin(ks[5], H, D)
    be2 = jnp.zeros((D,), dtype=jnp.float32)
    ln_e_scale = jnp.ones((D,), dtype=jnp.float32)
    ln_e_bias = jnp.zeros((D,), dtype=jnp.float32)

    # node model: concat(node, aggregated_edges) = 2*D -> H -> D, + LayerNorm
    Wn1 = lin(ks[6], 2 * D, H)
    bn1 = jnp.zeros((H,), dtype=jnp.float32)
    Wn2 = lin(ks[7], H, D)
    bn2 = jnp.zeros((D,), dtype=jnp.float32)
    ln_n_scale = jnp.ones((D,), dtype=jnp.float32)
    ln_n_bias = jnp.zeros((D,), dtype=jnp.float32)

    return {
        'node_features': node_features,
        'edge_features': edge_features,
        'senders': senders,
        'receivers': receivers,
        'We1': We1, 'be1': be1, 'We2': We2, 'be2': be2,
        'ln_e_scale': ln_e_scale, 'ln_e_bias': ln_e_bias,
        'Wn1': Wn1, 'bn1': bn1, 'Wn2': Wn2, 'bn2': bn2,
        'ln_n_scale': ln_n_scale, 'ln_n_bias': ln_n_bias,
    }


def reference(node_features, edge_features, senders, receivers,
              We1, be1, We2, be2, ln_e_scale, ln_e_bias,
              Wn1, bn1, Wn2, bn2, ln_n_scale, ln_n_bias):
    # --- edge update: gather endpoint node features, concat with edge features, apply edge MLP ---
    sender_features = jnp.take(node_features, senders, axis=0)
    receiver_features = jnp.take(node_features, receivers, axis=0)
    edge_in = jnp.concatenate([sender_features, receiver_features, edge_features], axis=-1)
    updated_edges = _mlp(edge_in, We1, be1, We2, be2, ln_e_scale, ln_e_bias)

    # --- node update: scatter-add (segment sum) updated edge features onto receiver nodes ---
    num_nodes = node_features.shape[0]
    agg = jax.ops.segment_sum(updated_edges, receivers, num_segments=num_nodes)
    node_in = jnp.concatenate([node_features, agg], axis=-1)
    updated_nodes = _mlp(node_in, Wn1, bn1, Wn2, bn2, ln_n_scale, ln_n_bias)

    # --- residual connections ---
    new_node_features = updated_nodes + node_features
    new_edge_features = updated_edges + edge_features
    return (new_node_features, new_edge_features)

if __name__ == "__main__":
    import jax
    _d = setup_inputs()
    print(jax.jit(kernel)(*tuple(_d.values())))

</pallas_src>

<mosaic_0001>
#map = affine_map<(d0, d1) -> (0, 0)>
#map1 = affine_map<(d0, d1) -> (0)>
#map2 = affine_map<(d0, d1) -> (0, 0, 0)>
module attributes {stable_mosaic.version = 14 : i64} {
  func.func @scatter_k(%arg0: i32, %arg1: i32, %arg2: memref<320000x128xf32, #tpu.memory_space<hbm>>, %arg3: memref<320000xi32, #tpu.memory_space<hbm>>, %arg4: memref<2x10112x128xf32, #tpu.memory_space<hbm>>, %arg5: memref<128xi32, #tpu.memory_space<vmem>>, %arg6: memref<128xi32, #tpu.memory_space<vmem>>, %arg7: memref<128xi32, #tpu.memory_space<vmem>>, %arg8: memref<128x128xf32, #tpu.memory_space<vmem>>, %arg9: memref<128x128xf32, #tpu.memory_space<vmem>>, %arg10: memref<128x128xf32, #tpu.memory_space<vmem>>, %arg11: memref<10112x128xf32, #tpu.memory_space<vmem_shared>>, %arg12: memref<!tpu.dma_semaphore, #tpu.memory_space<semaphore_mem>>, %arg13: memref<!tpu.dma_semaphore, #tpu.memory_space<semaphore_mem>>, %arg14: memref<!tpu.dma_semaphore, #tpu.memory_space<semaphore_mem>>, %arg15: memref<!tpu.dma_semaphore, #tpu.memory_space<semaphore_mem>>, %arg16: memref<!tpu.dma_semaphore, #tpu.memory_space<semaphore_mem>>, %arg17: memref<!tpu.dma_semaphore, #tpu.memory_space<semaphore_mem>>, %arg18: memref<!tpu.dma_semaphore, #tpu.memory_space<semaphore_mem>>, %arg19: memref<!tpu.dma_semaphore, #tpu.memory_space<semaphore_mem>>, %arg20: memref<!tpu.dma_semaphore, #tpu.memory_space<semaphore_mem>>) attributes {dimension_semantics = [#tpu.dimension_semantics<core_parallel>, #tpu.dimension_semantics<subcore_parallel>], iteration_bounds = array<i64: 2, 16>, scalar_prefetch = 0 : i64, scratch_operands = 16 : i64, tpu.core_type = #tpu.core_type<sc_vector_subcore>, window_params = [{transform_indices = #map}, {transform_indices = #map1}, {transform_indices = #map2}]} {
    %mul3A = arith.constant 2 : i32
    %mul3A_0 = arith.muli %arg1, %mul3A : i32
    %add3A = arith.addi %mul3A_0, %arg0 : i32
    %scan3A = arith.constant 0 : i32
    %scan3A_1 = arith.constant 0 : i32
    %scan3A_2 = arith.constant 1024 : i32
    %scan3A_3 = arith.addi %scan3A_1, %scan3A_2 : i32
    %scan3A_4 = arith.constant 1 : i32
    scf.for %scan3A_123 = %scan3A_1 to %scan3A_3 step %scan3A_4  : i32 {
      %jit3A = arith.constant 8 : i32
      %div3A = arith.divsi %scan3A_123, %jit3A : i32
      %sign3A = arith.constant 0 : i32
      %sign3A_124 = arith.cmpi sgt, %scan3A_123, %sign3A : i32
      %sign3A_125 = arith.extui %sign3A_124 : i1 to i32
      %sign3A_126 = arith.constant 0 : i32
      %sign3A_127 = arith.cmpi slt, %scan3A_123, %sign3A_126 : i32
      %sign3A_128 = arith.extui %sign3A_127 : i1 to i32
      %sign3A_129 = arith.subi %sign3A_125, %sign3A_128 : i32
      %sign3A_130 = arith.constant 0 : i32
      %sign3A_131 = arith.cmpi sgt, %jit3A, %sign3A_130 : i32
      %sign3A_132 = arith.extui %sign3A_131 : i1 to i32
      %sign3A_133 = arith.constant 0 : i32
      %sign3A_134 = arith.cmpi slt, %jit3A, %sign3A_133 : i32
      %sign3A_135 = arith.extui %sign3A_134 : i1 to i32
      %sign3A_136 = arith.subi %sign3A_132, %sign3A_135 : i32
      %ne3A = arith.cmpi ne, %sign3A_129, %sign3A_136 : i32
      %rem3A = arith.remsi %scan3A_123, %jit3A : i32
      %ne3A_137 = arith.constant 0 : i32
      %ne3A_138 = arith.cmpi ne, %rem3A, %ne3A_137 : i32
      %and3A = arith.andi %ne3A, %ne3A_138 : i1
      %sub3A = arith.constant 1 : i32
      %sub3A_139 = arith.subi %div3A, %sub3A : i32
      %select_n3A = arith.select %and3A, %sub3A_139, %div3A : i32
      %jit3A_140 = arith.constant 8 : i32
      %eq3A = arith.constant 0 : i32
      %eq3A_141 = arith.cmpi eq, %jit3A_140, %eq3A : i32
      %jit3A_142 = arith.constant 1 : i32
      %select_n3A_143 = arith.select %eq3A_141, %jit3A_142, %jit3A_140 : i32
      %rem3A_144 = arith.remsi %scan3A_123, %select_n3A_143 : i32
      %ne3A_145 = arith.constant 0 : i32
      %ne3A_146 = arith.cmpi ne, %rem3A_144, %ne3A_145 : i32
      %lt3A_147 = arith.constant 0 : i32
      %lt3A_148 = arith.cmpi slt, %rem3A_144, %lt3A_147 : i32
      %lt3A_149 = arith.constant 0 : i32
      %lt3A_150 = arith.cmpi slt, %select_n3A_143, %lt3A_149 : i32
      %ne3A_151 = arith.xori %lt3A_148, %lt3A_150 : i1
      %and3A_152 = arith.andi %ne3A_151, %ne3A_146 : i1
      %add3A_153 = arith.addi %rem3A_144, %select_n3A_143 : i32
      %select_n3A_154 = arith.select %and3A_152, %add3A_153, %rem3A_144 : i32
      %mul3A_155 = arith.constant 16 : i32
      %mul3A_156 = arith.muli %select_n3A_154, %mul3A_155 : i32
      %broadcast_in_dim3A = arith.constant 0.000000e+00 : f32
      %broadcast_in_dim3A_157 = vector.broadcast %broadcast_in_dim3A : f32 to vector<16xf32>
      %swap3A = arith.index_cast %select_n3A : i32 to index
      %swap3A_158 = arith.index_cast %mul3A_156 : i32 to index
      %swap3A_159 = tpu.vector_load %arg8[%swap3A, %swap3A_158] {strides = array<i32>} : memref<128x128xf32, #tpu.memory_space<vmem>>, vector<1x16xf32>,
      %swap3A_160 = vector.shape_cast %swap3A_159 : vector<1x16xf32> to vector<16xf32>
      %swap3A_161 = vector.shape_cast %broadcast_in_dim3A_157 : vector<16xf32> to vector<1x16xf32>
      tpu.vector_store %arg8[%swap3A, %swap3A_158], %swap3A_161 {strides = array<i32>} : memref<128x128xf32, #tpu.memory_space<vmem>>, vector<1x16xf32>,
    }
    %scan3A_5 = arith.constant 1024 : i32
    %mul3A_6 = arith.constant 632 : i32
    %mul3A_7 = arith.muli %arg1, %mul3A_6 : i32
    %add3A_8 = arith.constant 0 : i32
    %add3A_9 = arith.addi %mul3A_7, %add3A_8 : i32
    "tpu.region"() ({
      %run_scoped3A = tpu.sem_alloc : memref<!tpu.dma_semaphore, #tpu.memory_space<semaphore_mem>>
      %dma_start3A_123 = arith.constant 0 : i32
      %dma_start3A_124 = tpu.memref_slice %arg11[%add3A_9, %dma_start3A_123] : memref<10112x128xf32, #tpu.memory_space<vmem_shared>> -> memref<128x128xf32, #tpu.memory_space<vmem_shared>>
      %dma_start3A_125 = arith.constant 0 : i32
      %dma_start3A_126 = tpu.memref_slice %arg11[%add3A_9, %dma_start3A_125] : memref<10112x128xf32, #tpu.memory_space<vmem_shared>> -> memref<128x128xf32, #tpu.memory_space<vmem_shared>>
      tpu.enqueue_dma source(%arg8 : memref<128x128xf32, #tpu.memory_space<vmem>>) target(%dma_start3A_126 : memref<128x128xf32, #tpu.memory_space<vmem_shared>>) target_semaphore(%run_scoped3A : memref<!tpu.dma_semaphore, #tpu.memory_space<semaphore_mem>>)
      %dma_wait3A_127 = arith.constant 0 : i32
      %dma_wait3A_128 = tpu.memref_slice %arg11[%add3A_9, %dma_wait3A_127] : memref<10112x128xf32, #tpu.memory_space<vmem_shared>> -> memref<128x128xf32, #tpu.memory_space<vmem_shared>>
      %dma_wait3A_129 = arith.constant 0 : i32
      %dma_wait3A_130 = tpu.memref_slice %arg11[%add3A_9, %dma_wait3A_129] : memref<10112x128xf32, #tpu.memory_space<vmem_shared>> -> memref<128x128xf32, #tpu.memory_space<vmem_shared>>
      tpu.wait_dma2 semaphore(%run_scoped3A : memref<!tpu.dma_semaphore, #tpu.memory_space<semaphore_mem>>) src(%arg8 : memref<128x128xf32, #tpu.memory_space<vmem>>) dst(%dma_wait3A_130 : memref<128x128xf32, #tpu.memory_space<vmem_shared>>)
      tpu.yield
    }) : () -> ()
    %add3A_10 = arith.constant 128 : i32
    %add3A_11 = arith.addi %mul3A_7, %add3A_10 : i32
    "tpu.region"() ({
      %run_scoped3A = tpu.sem_alloc : memref<!tpu.dma_semaphore, #tpu.memory_space<semaphore_mem>>
      %dma_start3A_123 = arith.constant 0 : i32
      %dma_start3A_124 = tpu.memref_slice %arg11[%add3A_11, %dma_start3A_123] : memref<10112x128xf32, #tpu.memory_space<vmem_shared>> -> memref<128x128xf32, #tpu.memory_space<vmem_shared>>
      %dma_start3A_125 = arith.constant 0 : i32
      %dma_start3A_126 = tpu.memref_slice %arg11[%add3A_11, %dma_start3A_125] : memref<10112x128xf32, #tpu.memory_space<vmem_shared>> -> memref<128x128xf32, #tpu.memory_space<vmem_shared>>
      tpu.enqueue_dma source(%arg8 : memref<128x128xf32, #tpu.memory_space<vmem>>) target(%dma_start3A_126 : memref<128x128xf32, #tpu.memory_space<vmem_shared>>) target_semaphore(%run_scoped3A : memref<!tpu.dma_semaphore, #tpu.memory_space<semaphore_mem>>)
      %dma_wait3A_127 = arith.constant 0 : i32
      %dma_wait3A_128 = tpu.memref_slice %arg11[%add3A_11, %dma_wait3A_127] : memref<10112x128xf32, #tpu.memory_space<vmem_shared>> -> memref<128x128xf32, #tpu.memory_space<vmem_shared>>
      %dma_wait3A_129 = arith.constant 0 : i32
      %dma_wait3A_130 = tpu.memref_slice %arg11[%add3A_11, %dma_wait3A_129] : memref<10112x128xf32, #tpu.memory_space<vmem_shared>> -> memref<128x128xf32, #tpu.memory_space<vmem_shared>>
      tpu.wait_dma2 semaphore(%run_scoped3A : memref<!tpu.dma_semaphore, #tpu.memory_space<semaphore_mem>>) src(%arg8 : memref<128x128xf32, #tpu.memory_space<vmem>>) dst(%dma_wait3A_130 : memref<128x128xf32, #tpu.memory_space<vmem_shared>>)
      tpu.yield
    }) : () -> ()
    %add3A_12 = arith.constant 256 : i32
    %add3A_13 = arith.addi %mul3A_7, %add3A_12 : i32
    "tpu.region"() ({
      %run_scoped3A = tpu.sem_alloc : memref<!tpu.dma_semaphore, #tpu.memory_space<semaphore_mem>>
      %dma_start3A_123 = arith.constant 0 : i32
      %dma_start3A_124 = tpu.memref_slice %arg11[%add3A_13, %dma_start3A_123] : memref<10112x128xf32, #tpu.memory_space<vmem_shared>> -> memref<128x128xf32, #tpu.memory_space<vmem_shared>>
      %dma_start3A_125 = arith.constant 0 : i32
      %dma_start3A_126 = tpu.memref_slice %arg11[%add3A_13, %dma_start3A_125] : memref<10112x128xf32, #tpu.memory_space<vmem_shared>> -> memref<128x128xf32, #tpu.memory_space<vmem_shared>>
      tpu.enqueue_dma source(%arg8 : memref<128x128xf32, #tpu.memory_space<vmem>>) target(%dma_start3A_126 : memref<128x128xf32, #tpu.memory_space<vmem_shared>>) target_semaphore(%run_scoped3A : memref<!tpu.dma_semaphore, #tpu.memory_space<semaphore_mem>>)
      %dma_wait3A_127 = arith.constant 0 : i32
      %dma_wait3A_128 = tpu.memref_slice %arg11[%add3A_13, %dma_wait3A_127] : memref<10112x128xf32, #tpu.memory_space<vmem_shared>> -> memref<128x128xf32, #tpu.memory_space<vmem_shared>>
      %dma_wait3A_129 = arith.constant 0 : i32
      %dma_wait3A_130 = tpu.memref_slice %arg11[%add3A_13, %dma_wait3A_129] : memref<10112x128xf32, #tpu.memory_space<vmem_shared>> -> memref<128x128xf32, #tpu.memory_space<vmem_shared>>
      tpu.wait_dma2 semaphore(%run_scoped3A : memref<!tpu.dma_semaphore, #tpu.memory_space<semaphore_mem>>) src(%arg8 : memref<128x128xf32, #tpu.memory_space<vmem>>) dst(%dma_wait3A_130 : memref<128x128xf32, #tpu.memory_space<vmem_shared>>)
      tpu.yield
    }) : () -> ()
    %add3A_14 = arith.constant 384 : i32
    %add3A_15 = arith.addi %mul3A_7, %add3A_14 : i32
    "tpu.region"() ({
      %run_scoped3A = tpu.sem_alloc : memref<!tpu.dma_semaphore, #tpu.memory_space<semaphore_mem>>
      %dma_start3A_123 = arith.constant 0 : i32
      %dma_start3A_124 = tpu.memref_slice %arg11[%add3A_15, %dma_start3A_123] : memref<10112x128xf32, #tpu.memory_space<vmem_shared>> -> memref<128x128xf32, #tpu.memory_space<vmem_shared>>
      %dma_start3A_125 = arith.constant 0 : i32
      %dma_start3A_126 = tpu.memref_slice %arg11[%add3A_15, %dma_start3A_125] : memref<10112x128xf32, #tpu.memory_space<vmem_shared>> -> memref<128x128xf32, #tpu.memory_space<vmem_shared>>
      tpu.enqueue_dma source(%arg8 : memref<128x128xf32, #tpu.memory_space<vmem>>) target(%dma_start3A_126 : memref<128x128xf32, #tpu.memory_space<vmem_shared>>) target_semaphore(%run_scoped3A : memref<!tpu.dma_semaphore, #tpu.memory_space<semaphore_mem>>)
      %dma_wait3A_127 = arith.constant 0 : i32
      %dma_wait3A_128 = tpu.memref_slice %arg11[%add3A_15, %dma_wait3A_127] : memref<10112x128xf32, #tpu.memory_space<vmem_shared>> -> memref<128x128xf32, #tpu.memory_space<vmem_shared>>
      %dma_wait3A_129 = arith.constant 0 : i32
      %dma_wait3A_130 = tpu.memref_slice %arg11[%add3A_15, %dma_wait3A_129] : memref<10112x128xf32, #tpu.memory_space<vmem_shared>> -> memref<128x128xf32, #tpu.memory_space<vmem_shared>>
      tpu.wait_dma2 semaphore(%run_scoped3A : memref<!tpu.dma_semaphore, #tpu.memory_space<semaphore_mem>>) src(%arg8 : memref<128x128xf32, #tpu.memory_space<vmem>>) dst(%dma_wait3A_130 : memref<128x128xf32, #tpu.memory_space<vmem_shared>>)
      tpu.yield
    }) : () -> ()
    %add3A_16 = arith.constant 512 : i32
    %add3A_17 = arith.addi %mul3A_7, %add3A_16 : i32
    "tpu.region"() ({
      %run_scoped3A = tpu.sem_alloc : memref<!tpu.dma_semaphore, #tpu.memory_space<semaphore_mem>>
      %dma_start3A_123 = arith.constant 0 : i32
      %dma_start3A_124 = arith.constant 0 : i32
      %dma_start3A_125 = tpu.memref_slice %arg8[%dma_start3A_123, %dma_start3A_124] : memref<128x128xf32, #tpu.memory_space<vmem>> -> memref<120x128xf32, #tpu.memory_space<vmem>>
      %dma_start3A_126 = arith.constant 0 : i32
      %dma_start3A_127 = tpu.memref_slice %arg11[%add3A_17, %dma_start3A_126] : memref<10112x128xf32, #tpu.memory_space<vmem_shared>> -> memref<120x128xf32, #tpu.memory_space<vmem_shared>>
      %dma_start3A_128 = arith.constant 0 : i32
      %dma_start3A_129 = tpu.memref_slice %arg11[%add3A_17, %dma_start3A_128] : memref<10112x128xf32, #tpu.memory_space<vmem_shared>> -> memref<120x128xf32, #tpu.memory_space<vmem_shared>>
      %dma_start3A_130 = arith.constant 0 : i32
      %dma_start3A_131 = arith.constant 0 : i32
      %dma_start3A_132 = tpu.memref_slice %arg8[%dma_start3A_130, %dma_start3A_131] : memref<128x128xf32, #tpu.memory_space<vmem>> -> memref<120x128xf32, #tpu.memory_space<vmem>>
      tpu.enqueue_dma source(%dma_start3A_132 : memref<120x128xf32, #tpu.memory_space<vmem>>) target(%dma_start3A_129 : memref<120x128xf32, #tpu.memory_space<vmem_shared>>) target_semaphore(%run_scoped3A : memref<!tpu.dma_semaphore, #tpu.memory_space<semaphore_mem>>)
      %dma_wait3A_133 = arith.constant 0 : i32
      %dma_wait3A_134 = arith.constant 0 : i32
      %dma_wait3A_135 = tpu.memref_slice %arg8[%dma_wait3A_133, %dma_wait3A_134] : memref<128x128xf32, #tpu.memory_space<vmem>> -> memref<120x128xf32, #tpu.memory_space<vmem>>
      %dma_wait3A_136 = arith.constant 0 : i32
      %dma_wait3A_137 = tpu.memref_slice %arg11[%add3A_17, %dma_wait3A_136] : memref<10112x128xf32, #tpu.memory_space<vmem_shared>> -> memref<120x128xf32, #tpu.memory_space<vmem_shared>>
      %dma_wait3A_138 = arith.constant 0 : i32
      %dma_wait3A_139 = tpu.memref_slice %arg11[%add3A_17, %dma_wait3A_138] : memref<10112x128xf32, #tpu.memory_space<vmem_shared>> -> memref<120x128xf32, #tpu.memory_space<vmem_shared>>
      %dma_wait3A_140 = arith.constant 0 : i32
      %dma_wait3A_141 = arith.constant 0 : i32
      %dma_wait3A_142 = tpu.memref_slice %arg8[%dma_wait3A_140, %dma_wait3A_141] : memref<128x128xf32, #tpu.memory_space<vmem>> -> memref<120x128xf32, #tpu.memory_space<vmem>>
      tpu.wait_dma2 semaphore(%run_scoped3A : memref<!tpu.dma_semaphore, #tpu.memory_space<semaphore_mem>>) src(%dma_wait3A_142 : memref<120x128xf32, #tpu.memory_space<vmem>>) dst(%dma_wait3A_139 : memref<120x128xf32, #tpu.memory_space<vmem_shared>>)
      tpu.yield
    }) : () -> ()
    %barrier3A = arith.constant 0 : index
    tpu.barrier barrier_id(%barrier3A)
    %add3A_18 = arith.constant 0 : i32
    %add3A_19 = arith.addi %add3A_18, %add3A : i32
    %lt3A = arith.constant 2500 : i32
    %lt3A_20 = arith.cmpi slt, %add3A_19, %lt3A : i32
    %convert_element_type3A = arith.extui %lt3A_20 : i1 to i32
    %cond3A = arith.constant 0 : i32
    %cond3A_21 = arith.cmpi ne, %convert_element_type3A, %cond3A : i32
    scf.if %cond3A_21 {
      %mul3A_123 = arith.constant 128 : i32
      %mul3A_124 = arith.muli %add3A_19, %mul3A_123 : i32
      %dma_start3A_125 = tpu.memref_slice %arg3[%mul3A_124] : memref<320000xi32, #tpu.memory_space<hbm>> -> memref<128xi32, #tpu.memory_space<hbm>>
      %dma_start3A_126 = tpu.memref_slice %arg3[%mul3A_124] : memref<320000xi32, #tpu.memory_space<hbm>> -> memref<128xi32, #tpu.memory_space<hbm>>
      tpu.enqueue_dma source(%dma_start3A_126 : memref<128xi32, #tpu.memory_space<hbm>>) target(%arg5 : memref<128xi32, #tpu.memory_space<vmem>>) target_semaphore(%arg12 : memref<!tpu.dma_semaphore, #tpu.memory_space<semaphore_mem>>)
      %mul3A_127 = arith.constant 128 : i32
      %mul3A_128 = arith.muli %add3A_19, %mul3A_127 : i32
      %dma_start3A_129 = arith.constant 0 : i32
      %dma_start3A_130 = tpu.memref_slice %arg2[%mul3A_128, %dma_start3A_129] : memref<320000x128xf32, #tpu.memory_space<hbm>> -> memref<128x128xf32, #tpu.memory_space<hbm>>
      %dma_start3A_131 = arith.constant 0 : i32
      %dma_start3A_132 = tpu.memref_slice %arg2[%mul3A_128, %dma_start3A_131] : memref<320000x128xf32, #tpu.memory_space<hbm>> -> memref<128x128xf32, #tpu.memory_space<hbm>>
      tpu.enqueue_dma source(%dma_start3A_132 : memref<128x128xf32, #tpu.memory_space<hbm>>) target(%arg8 : memref<128x128xf32, #tpu.memory_space<vmem>>) target_semaphore(%arg15 : memref<!tpu.dma_semaphore, #tpu.memory_space<semaphore_mem>>)
    } else {
    }
    %add3A_22 = arith.constant 32 : i32
    %add3A_23 = arith.addi %add3A_22, %add3A : i32
    %lt3A_24 = arith.constant 2500 : i32
    %lt3A_25 = arith.cmpi slt, %add3A_23, %lt3A_24 : i32
    %convert_element_type3A_26 = arith.extui %lt3A_25 : i1 to i32
    %cond3A_27 = arith.constant 0 : i32
    %cond3A_28 = arith.cmpi ne, %convert_element_type3A_26, %cond3A_27 : i32
    scf.if %cond3A_28 {
      %mul3A_123 = arith.constant 128 : i32
      %mul3A_124 = arith.muli %add3A_23, %mul3A_123 : i32
      %dma_start3A_125 = tpu.memref_slice %arg3[%mul3A_124] : memref<320000xi32, #tpu.memory_space<hbm>> -> memref<128xi32, #tpu.memory_space<hbm>>
      %dma_start3A_126 = tpu.memref_slice %arg3[%mul3A_124] : memref<320000xi32, #tpu.memory_space<hbm>> -> memref<128xi32, #tpu.memory_space<hbm>>
      tpu.enqueue_dma source(%dma_start3A_126 : memref<128xi32, #tpu.memory_space<hbm>>) target(%arg6 : memref<128xi32, #tpu.memory_space<vmem>>) target_semaphore(%arg13 : memref<!tpu.dma_semaphore, #tpu.memory_space<semaphore_mem>>)
      %mul3A_127 = arith.constant 128 : i32
      %mul3A_128 = arith.muli %add3A_23, %mul3A_127 : i32
      %dma_start3A_129 = arith.constant 0 : i32
      %dma_start3A_130 = tpu.memref_slice %arg2[%mul3A_128, %dma_start3A_129] : memref<320000x128xf32, #tpu.memory_space<hbm>> -> memref<128x128xf32, #tpu.memory_space<hbm>>
      %dma_start3A_131 = arith.constant 0 : i32
      %dma_start3A_132 = tpu.memref_slice %arg2[%mul3A_128, %dma_start3A_131] : memref<320000x128xf32, #tpu.memory_space<hbm>> -> memref<128x128xf32, #tpu.memory_space<hbm>>
      tpu.enqueue_dma source(%dma_start3A_132 : memref<128x128xf32, #tpu.memory_space<hbm>>) target(%arg9 : memref<128x128xf32, #tpu.memory_space<vmem>>) target_semaphore(%arg16 : memref<!tpu.dma_semaphore, #tpu.memory_space<semaphore_mem>>)
    } else {
    }
    %dma_wait3A = arith.constant 0 : i32
    %dma_wait3A_29 = tpu.memref_slice %arg3[%dma_wait3A] : memref<320000xi32, #tpu.memory_space<hbm>> -> memref<128xi32, #tpu.memory_space<hbm>>
    %dma_wait3A_30 = arith.constant 0 : i32
    %dma_wait3A_31 = tpu.memref_slice %arg3[%dma_wait3A_30] : memref<320000xi32, #tpu.memory_space<hbm>> -> memref<128xi32, #tpu.memory_space<hbm>>
    tpu.wait_dma2 semaphore(%arg12 : memref<!tpu.dma_semaphore, #tpu.memory_space<semaphore_mem>>) src(%dma_wait3A_31 : memref<128xi32, #tpu.memory_space<hbm>>) dst(%arg5 : memref<128xi32, #tpu.memory_space<vmem>>)
    %dma_wait3A_32 = arith.constant 0 : i32
    %dma_wait3A_33 = arith.constant 0 : i32
    %dma_wait3A_34 = tpu.memref_slice %arg2[%dma_wait3A_32, %dma_wait3A_33] : memref<320000x128xf32, #tpu.memory_space<hbm>> -> memref<128x128xf32, #tpu.memory_space<hbm>>
    %dma_wait3A_35 = arith.constant 0 : i32
    %dma_wait3A_36 = arith.constant 0 : i32
    %dma_wait3A_37 = tpu.memref_slice %arg2[%dma_wait3A_35, %dma_wait3A_36] : memref<320000x128xf32, #tpu.memory_space<hbm>> -> memref<128x128xf32, #tpu.memory_space<hbm>>
    tpu.wait_dma2 semaphore(%arg15 : memref<!tpu.dma_semaphore, #tpu.memory_space<semaphore_mem>>) src(%dma_wait3A_37 : memref<128x128xf32, #tpu.memory_space<hbm>>) dst(%arg8 : memref<128x128xf32, #tpu.memory_space<vmem>>)
    %dma_start3A = arith.constant 0 : i32
    %dma_start3A_38 = arith.constant 0 : i32
    %dma_start3A_39 = tpu.memref_slice %arg11[%dma_start3A, %dma_start3A_38] : memref<10112x128xf32, #tpu.memory_space<vmem_shared>> -> memref<10112x128xf32, #tpu.memory_space<vmem_shared>>
    tpu.enqueue_indirect_dma source(%arg8 : memref<128x128xf32, #tpu.memory_space<vmem>>) target(%dma_start3A_39 : memref<10112x128xf32, #tpu.memory_space<vmem_shared>>) offsets(%arg5 : memref<128xi32, #tpu.memory_space<vmem>>) semaphore(%arg18 : memref<!tpu.dma_semaphore, #tpu.memory_space<semaphore_mem>>) {add = true}
    %add3A_40 = arith.constant 64 : i32
    %add3A_41 = arith.addi %add3A_40, %add3A : i32
    %lt3A_42 = arith.constant 2500 : i32
    %lt3A_43 = arith.cmpi slt, %add3A_41, %lt3A_42 : i32
    %convert_element_type3A_44 = arith.extui %lt3A_43 : i1 to i32
    %cond3A_45 = arith.constant 0 : i32
    %cond3A_46 = arith.cmpi ne, %convert_element_type3A_44, %cond3A_45 : i32
    scf.if %cond3A_46 {
      %mul3A_123 = arith.constant 128 : i32
      %mul3A_124 = arith.muli %add3A_41, %mul3A_123 : i32
      %dma_start3A_125 = tpu.memref_slice %arg3[%mul3A_124] : memref<320000xi32, #tpu.memory_space<hbm>> -> memref<128xi32, #tpu.memory_space<hbm>>
      %dma_start3A_126 = tpu.memref_slice %arg3[%mul3A_124] : memref<320000xi32, #tpu.memory_space<hbm>> -> memref<128xi32, #tpu.memory_space<hbm>>
      tpu.enqueue_dma source(%dma_start3A_126 : memref<128xi32, #tpu.memory_space<hbm>>) target(%arg7 : memref<128xi32, #tpu.memory_space<vmem>>) target_semaphore(%arg14 : memref<!tpu.dma_semaphore, #tpu.memory_space<semaphore_mem>>)
      %mul3A_127 = arith.constant 128 : i32
      %mul3A_128 = arith.muli %add3A_41, %mul3A_127 : i32
      %dma_start3A_129 = arith.constant 0 : i32
      %dma_start3A_130 = tpu.memref_slice %arg2[%mul3A_128, %dma_start3A_129] : memref<320000x128xf32, #tpu.memory_space<hbm>> -> memref<128x128xf32, #tpu.memory_space<hbm>>
      %dma_start3A_131 = arith.constant 0 : i32
      %dma_start3A_132 = tpu.memref_slice %arg2[%mul3A_128, %dma_start3A_131] : memref<320000x128xf32, #tpu.memory_space<hbm>> -> memref<128x128xf32, #tpu.memory_space<hbm>>
      tpu.enqueue_dma source(%dma_start3A_132 : memref<128x128xf32, #tpu.memory_space<hbm>>) target(%arg10 : memref<128x128xf32, #tpu.memory_space<vmem>>) target_semaphore(%arg17 : memref<!tpu.dma_semaphore, #tpu.memory_space<semaphore_mem>>)
    } else {
    }
    %dma_wait3A_47 = arith.constant 0 : i32
    %dma_wait3A_48 = tpu.memref_slice %arg3[%dma_wait3A_47] : memref<320000xi32, #tpu.memory_space<hbm>> -> memref<128xi32, #tpu.memory_space<hbm>>
    %dma_wait3A_49 = arith.constant 0 : i32
    %dma_wait3A_50 = tpu.memref_slice %arg3[%dma_wait3A_49] : memref<320000xi32, #tpu.memory_space<hbm>> -> memref<128xi32, #tpu.memory_space<hbm>>
    tpu.wait_dma2 semaphore(%arg13 : memref<!tpu.dma_semaphore, #tpu.memory_space<semaphore_mem>>) src(%dma_wait3A_50 : memref<128xi32, #tpu.memory_space<hbm>>) dst(%arg6 : memref<128xi32, #tpu.memory_space<vmem>>)
    %dma_wait3A_51 = arith.constant 0 : i32
    %dma_wait3A_52 = arith.constant 0 : i32
    %dma_wait3A_53 = tpu.memref_slice %arg2[%dma_wait3A_51, %dma_wait3A_52] : memref<320000x128xf32, #tpu.memory_space<hbm>> -> memref<128x128xf32, #tpu.memory_space<hbm>>
    %dma_wait3A_54 = arith.constant 0 : i32
    %dma_wait3A_55 = arith.constant 0 : i32
    %dma_wait3A_56 = tpu.memref_slice %arg2[%dma_wait3A_54, %dma_wait3A_55] : memref<320000x128xf32, #tpu.memory_space<hbm>> -> memref<128x128xf32, #tpu.memory_space<hbm>>
    tpu.wait_dma2 semaphore(%arg16 : memref<!tpu.dma_semaphore, #tpu.memory_space<semaphore_mem>>) src(%dma_wait3A_56 : memref<128x128xf32, #tpu.memory_space<hbm>>) dst(%arg9 : memref<128x128xf32, #tpu.memory_space<vmem>>)
    %dma_start3A_57 = arith.constant 0 : i32
    %dma_start3A_58 = arith.constant 0 : i32
    %dma_start3A_59 = tpu.memref_slice %arg11[%dma_start3A_57, %dma_start3A_58] : memref<10112x128xf32, #tpu.memory_space<vmem_shared>> -> memref<10112x128xf32, #tpu.memory_space<vmem_shared>>
    tpu.enqueue_indirect_dma source(%arg9 : memref<128x128xf32, #tpu.memory_space<vmem>>) target(%dma_start3A_59 : memref<10112x128xf32, #tpu.memory_space<vmem_shared>>) offsets(%arg6 : memref<128xi32, #tpu.memory_space<vmem>>) semaphore(%arg19 : memref<!tpu.dma_semaphore, #tpu.memory_space<semaphore_mem>>) {add = true}
    %dma_wait3A_60 = arith.constant 0 : i32
    %dma_wait3A_61 = arith.constant 0 : i32
    %dma_wait3A_62 = tpu.memref_slice %arg11[%dma_wait3A_60, %dma_wait3A_61] : memref<10112x128xf32, #tpu.memory_space<vmem_shared>> -> memref<10112x128xf32, #tpu.memory_space<vmem_shared>>
    tpu.wait_indirect_dma semaphore(%arg18 : memref<!tpu.dma_semaphore, #tpu.memory_space<semaphore_mem>>) src(%arg8 : memref<128x128xf32, #tpu.memory_space<vmem>>) dst(%dma_wait3A_62 : memref<10112x128xf32, #tpu.memory_space<vmem_shared>>)
    %add3A_63 = arith.constant 96 : i32
    %add3A_64 = arith.addi %add3A_63, %add3A : i32
    %lt3A_65 = arith.constant 2500 : i32
    %lt3A_66 = arith.cmpi slt, %add3A_64, %lt3A_65 : i32
    %convert_element_type3A_67 = arith.extui %lt3A_66 : i1 to i32
    %cond3A_68 = arith.constant 0 : i32
    %cond3A_69 = arith.cmpi ne, %convert_element_type3A_67, %cond3A_68 : i32
    scf.if %cond3A_69 {
      %mul3A_123 = arith.constant 128 : i32
      %mul3A_124 = arith.muli %add3A_64, %mul3A_123 : i32
      %dma_start3A_125 = tpu.memref_slice %arg3[%mul3A_124] : memref<320000xi32, #tpu.memory_space<hbm>> -> memref<128xi32, #tpu.memory_space<hbm>>
      %dma_start3A_126 = tpu.memref_slice %arg3[%mul3A_124] : memref<320000xi32, #tpu.memory_space<hbm>> -> memref<128xi32, #tpu.memory_space<hbm>>
      tpu.enqueue_dma source(%dma_start3A_126 : memref<128xi32, #tpu.memory_space<hbm>>) target(%arg5 : memref<128xi32, #tpu.memory_space<vmem>>) target_semaphore(%arg12 : memref<!tpu.dma_semaphore, #tpu.memory_space<semaphore_mem>>)
      %mul3A_127 = arith.constant 128 : i32
      %mul3A_128 = arith.muli %add3A_64, %mul3A_127 : i32
      %dma_start3A_129 = arith.constant 0 : i32
      %dma_start3A_130 = tpu.memref_slice %arg2[%mul3A_128, %dma_start3A_129] : memref<320000x128xf32, #tpu.memory_space<hbm>> -> memref<128x128xf32, #tpu.memory_space<hbm>>
      %dma_start3A_131 = arith.constant 0 : i32
      %dma_start3A_132 = tpu.memref_slice %arg2[%mul3A_128, %dma_start3A_131] : memref<320000x128xf32, #tpu.memory_space<hbm>> -> memref<128x128xf32, #tpu.memory_space<hbm>>
      tpu.enqueue_dma source(%dma_start3A_132 : memref<128x128xf32, #tpu.memory_space<hbm>>) target(%arg8 : memref<128x128xf32, #tpu.memory_space<vmem>>) target_semaphore(%arg15 : memref<!tpu.dma_semaphore, #tpu.memory_space<semaphore_mem>>)
    } else {
    }
    %dma_wait3A_70 = arith.constant 0 : i32
    %dma_wait3A_71 = tpu.memref_slice %arg3[%dma_wait3A_70] : memref<320000xi32, #tpu.memory_space<hbm>> -> memref<128xi32, #tpu.memory_space<hbm>>
    %dma_wait3A_72 = arith.constant 0 : i32
    %dma_wait3A_73 = tpu.memref_slice %arg3[%dma_wait3A_72] : memref<320000xi32, #tpu.memory_space<hbm>> -> memref<128xi32, #tpu.memory_space<hbm>>
    tpu.wait_dma2 semaphore(%arg14 : memref<!tpu.dma_semaphore, #tpu.memory_space<semaphore_mem>>) src(%dma_wait3A_73 : memref<128xi32, #tpu.memory_space<hbm>>) dst(%arg7 : memref<128xi32, #tpu.memory_space<vmem>>)
    %dma_wait3A_74 = arith.constant 0 : i32
    %dma_wait3A_75 = arith.constant 0 : i32
    %dma_wait3A_76 = tpu.memref_slice %arg2[%dma_wait3A_74, %dma_wait3A_75] : memref<320000x128xf32, #tpu.memory_space<hbm>> -> memref<128x128xf32, #tpu.memory_space<hbm>>
    %dma_wait3A_77 = arith.constant 0 : i32
    %dma_wait3A_78 = arith.constant 0 : i32
    %dma_wait3A_79 = tpu.memref_slice %arg2[%dma_wait3A_77, %dma_wait3A_78] : memref<320000x128xf32, #tpu.memory_space<hbm>> -> memref<128x128xf32, #tpu.memory_space<hbm>>
    tpu.wait_dma2 semaphore(%arg17 : memref<!tpu.dma_semaphore, #tpu.memory_space<semaphore_mem>>) src(%dma_wait3A_79 : memref<128x128xf32, #tpu.memory_space<hbm>>) dst(%arg10 : memref<128x128xf32, #tpu.memory_space<vmem>>)
    %dma_start3A_80 = arith.constant 0 : i32
    %dma_start3A_81 = arith.constant 0 : i32
    %dma_start3A_82 = tpu.memref_slice %arg11[%dma_start3A_80, %dma_start3A_81] : memref<10112x128xf32, #tpu.memory_space<vmem_shared>> -> memref<10112x128xf32, #tpu.memory_space<vmem_shared>>
    tpu.enqueue_indirect_dma source(%arg10 : memref<128x128xf32, #tpu.memory_space<vmem>>) target(%dma_start3A_82 : memref<10112x128xf32, #tpu.memory_space<vmem_shared>>) offsets(%arg7 : memref<128xi32, #tpu.memory_space<vmem>>) semaphore(%arg20 : memref<!tpu.dma_semaphore, #tpu.memory_space<semaphore_mem>>) {add = true}
    %dma_wait3A_83 = arith.constant 0 : i32
    %dma_wait3A_84 = arith.constant 0 : i32
    %dma_wait3A_85 = tpu.memref_slice %arg11[%dma_wait3A_83, %dma_wait3A_84] : memref<10112x128xf32, #tpu.memory_space<vmem_shared>> -> memref<10112x128xf32, #tpu.memory_space<vmem_shared>>
    tpu.wait_indirect_dma semaphore(%arg19 : memref<!tpu.dma_semaphore, #tpu.memory_space<semaphore_mem>>) src(%arg9 : memref<128x128xf32, #tpu.memory_space<vmem>>) dst(%dma_wait3A_85 : memref<10112x128xf32, #tpu.memory_space<vmem_shared>>)
    %add3A_86 = arith.constant 128 : i32
    %add3A_87 = arith.addi %add3A_86, %add3A : i32
    %lt3A_88 = arith.constant 2500 : i32
    %lt3A_89 = arith.cmpi slt, %add3A_87, %lt3A_88 : i32
    %convert_element_type3A_90 = arith.extui %lt3A_89 : i1 to i32
    %cond3A_91 = arith.constant 0 : i32
    %cond3A_92 = arith.cmpi ne, %convert_element_type3A_90, %cond3A_91 : i32
    scf.if %cond3A_92 {
      %mul3A_123 = arith.constant 128 : i32
      %mul3A_124 = arith.muli %add3A_87, %mul3A_123 : i32
      %dma_start3A_125 = tpu.memref_slice %arg3[%mul3A_124] : memref<320000xi32, #tpu.memory_space<hbm>> -> memref<128xi32, #tpu.memory_space<hbm>>
      %dma_start3A_126 = tpu.memref_slice %arg3[%mul3A_124] : memref<320000xi32, #tpu.memory_space<hbm>> -> memref<128xi32, #tpu.memory_space<hbm>>
      tpu.enqueue_dma source(%dma_start3A_126 : memref<128xi32, #tpu.memory_space<hbm>>) target(%arg6 : memref<128xi32, #tpu.memory_space<vmem>>) target_semaphore(%arg13 : memref<!tpu.dma_semaphore, #tpu.memory_space<semaphore_mem>>)
      %mul3A_127 = arith.constant 128 : i32
      %mul3A_128 = arith.muli %add3A_87, %mul3A_127 : i32
      %dma_start3A_129 = arith.constant 0 : i32
      %dma_start3A_130 = tpu.memref_slice %arg2[%mul3A_128, %dma_start3A_129] : memref<320000x128xf32, #tpu.memory_space<hbm>> -> memref<128x128xf32, #tpu.memory_space<hbm>>
      %dma_start3A_131 = arith.constant 0 : i32
      %dma_start3A_132 = tpu.memref_slice %arg2[%mul3A_128, %dma_start3A_131] : memref<320000x128xf32, #tpu.memory_space<hbm>> -> memref<128x128xf32, #tpu.memory_space<hbm>>
      tpu.enqueue_dma source(%dma_start3A_132 : memref<128x128xf32, #tpu.memory_space<hbm>>) target(%arg9 : memref<128x128xf32, #tpu.memory_space<vmem>>) target_semaphore(%arg16 : memref<!tpu.dma_semaphore, #tpu.memory_space<semaphore_mem>>)
    } else {
    }
    %scan3A_93 = arith.constant 0 : i32
    %scan3A_94 = arith.constant 1 : i32
    %scan3A_95 = arith.constant 25 : i32
    %scan3A_96 = arith.addi %scan3A_94, %scan3A_95 : i32
    %scan3A_97 = arith.constant 1 : i32
    scf.for %scan3A_123 = %scan3A_94 to %scan3A_96 step %scan3A_97  : i32 {
      %mul3A_124 = arith.constant 3 : i32
      %mul3A_125 = arith.muli %mul3A_124, %scan3A_123 : i32
      %dma_wait3A_126 = arith.constant 0 : i32
      %dma_wait3A_127 = tpu.memref_slice %arg3[%dma_wait3A_126] : memref<320000xi32, #tpu.memory_space<hbm>> -> memref<128xi32, #tpu.memory_space<hbm>>
      %dma_wait3A_128 = arith.constant 0 : i32
      %dma_wait3A_129 = tpu.memref_slice %arg3[%dma_wait3A_128] : memref<320000xi32, #tpu.memory_space<hbm>> -> memref<128xi32, #tpu.memory_space<hbm>>
      tpu.wait_dma2 semaphore(%arg12 : memref<!tpu.dma_semaphore, #tpu.memory_space<semaphore_mem>>) src(%dma_wait3A_129 : memref<128xi32, #tpu.memory_space<hbm>>) dst(%arg5 : memref<128xi32, #tpu.memory_space<vmem>>)
      %dma_wait3A_130 = arith.constant 0 : i32
      %dma_wait3A_131 = arith.constant 0 : i32
      %dma_wait3A_132 = tpu.memref_slice %arg2[%dma_wait3A_130, %dma_wait3A_131] : memref<320000x128xf32, #tpu.memory_space<hbm>> -> memref<128x128xf32, #tpu.memory_space<hbm>>
      %dma_wait3A_133 = arith.constant 0 : i32
      %dma_wait3A_134 = arith.constant 0 : i32
      %dma_wait3A_135 = tpu.memref_slice %arg2[%dma_wait3A_133, %dma_wait3A_134] : memref<320000x128xf32, #tpu.memory_space<hbm>> -> memref<128x128xf32, #tpu.memory_space<hbm>>
      tpu.wait_dma2 semaphore(%arg15 : memref<!tpu.dma_semaphore, #tpu.memory_space<semaphore_mem>>) src(%dma_wait3A_135 : memref<128x128xf32, #tpu.memory_space<hbm>>) dst(%arg8 : memref<128x128xf32, #tpu.memory_space<vmem>>)
      %dma_start3A_136 = arith.constant 0 : i32
      %dma_start3A_137 = arith.constant 0 : i32
      %dma_start3A_138 = tpu.memref_slice %arg11[%dma_start3A_136, %dma_start3A_137] : memref<10112x128xf32, #tpu.memory_space<vmem_shared>> -> memref<10112x128xf32, #tpu.memory_space<vmem_shared>>
      tpu.enqueue_indirect_dma source(%arg8 : memref<128x128xf32, #tpu.memory_space<vmem>>) target(%dma_start3A_138 : memref<10112x128xf32, #tpu.memory_space<vmem_shared>>) offsets(%arg5 : memref<128xi32, #tpu.memory_space<vmem>>) semaphore(%arg18 : memref<!tpu.dma_semaphore, #tpu.memory_space<semaphore_mem>>) {add = true}
      %dma_wait3A_139 = arith.constant 0 : i32
      %dma_wait3A_140 = arith.constant 0 : i32
      %dma_wait3A_141 = tpu.memref_slice %arg11[%dma_wait3A_139, %dma_wait3A_140] : memref<10112x128xf32, #tpu.memory_space<vmem_shared>> -> memref<10112x128xf32, #tpu.memory_space<vmem_shared>>
      tpu.wait_indirect_dma semaphore(%arg20 : memref<!tpu.dma_semaphore, #tpu.memory_space<semaphore_mem>>) src(%arg10 : memref<128x128xf32, #tpu.memory_space<vmem>>) dst(%dma_wait3A_141 : memref<10112x128xf32, #tpu.memory_space<vmem_shared>>)
      %add3A_142 = arith.constant 2 : i32
      %add3A_143 = arith.addi %mul3A_125, %add3A_142 : i32
      %mul3A_144 = arith.constant 32 : i32
      %mul3A_145 = arith.muli %add3A_143, %mul3A_144 : i32
      %add3A_146 = arith.addi %mul3A_145, %add3A : i32
      %lt3A_147 = arith.constant 2500 : i32
      %lt3A_148 = arith.cmpi slt, %add3A_146, %lt3A_147 : i32
      %convert_element_type3A_149 = arith.extui %lt3A_148 : i1 to i32
      %cond3A_150 = arith.constant 0 : i32
      %cond3A_151 = arith.cmpi ne, %convert_element_type3A_149, %cond3A_150 : i32
      scf.if %cond3A_151 {
        %mul3A_208 = arith.constant 128 : i32
        %mul3A_209 = arith.muli %add3A_146, %mul3A_208 : i32
        %dma_start3A_210 = tpu.memref_slice %arg3[%mul3A_209] : memref<320000xi32, #tpu.memory_space<hbm>> -> memref<128xi32, #tpu.memory_space<hbm>>
        %dma_start3A_211 = tpu.memref_slice %arg3[%mul3A_209] : memref<320000xi32, #tpu.memory_space<hbm>> -> memref<128xi32, #tpu.memory_space<hbm>>
        tpu.enqueue_dma source(%dma_start3A_211 : memref<128xi32, #tpu.memory_space<hbm>>) target(%arg7 : memref<128xi32, #tpu.memory_space<vmem>>) target_semaphore(%arg14 : memref<!tpu.dma_semaphore, #tpu.memory_space<semaphore_mem>>)
        %mul3A_212 = arith.constant 128 : i32
        %mul3A_213 = arith.muli %add3A_146, %mul3A_212 : i32
        %dma_start3A_214 = arith.constant 0 : i32
        %dma_start3A_215 = tpu.memref_slice %arg2[%mul3A_213, %dma_start3A_214] : memref<320000x128xf32, #tpu.memory_space<hbm>> -> memref<128x128xf32, #tpu.memory_space<hbm>>
        %dma_start3A_216 = arith.constant 0 : i32
        %dma_start3A_217 = tpu.memref_slice %arg2[%mul3A_213, %dma_start3A_216] : memref<320000x128xf32, #tpu.memory_space<hbm>> -> memref<128x128xf32, #tpu.memory_space<hbm>>
        tpu.enqueue_dma source(%dma_start3A_217 : memref<128x128xf32, #tpu.memory_space<hbm>>) target(%arg10 : memref<128x128xf32, #tpu.memory_space<vmem>>) target_semaphore(%arg17 : memref<!tpu.dma_semaphore, #tpu.memory_space<semaphore_mem>>)
      } else {
      }
      %add3A_152 = arith.constant 1 : i32
      %add3A_153 = arith.addi %mul3A_125, %add3A_152 : i32
      %dma_wait3A_154 = arith.constant 0 : i32
      %dma_wait3A_155 = tpu.memref_slice %arg3[%dma_wait3A_154] : memref<320000xi32, #tpu.memory_space<hbm>> -> memref<128xi32, #tpu.memory_space<hbm>>
      %dma_wait3A_156 = arith.constant 0 : i32
      %dma_wait3A_157 = tpu.memref_slice %arg3[%dma_wait3A_156] : memref<320000xi32, #tpu.memory_space<hbm>> -> memref<128xi32, #tpu.memory_space<hbm>>
      tpu.wait_dma2 semaphore(%arg13 : memref<!tpu.dma_semaphore, #tpu.memory_space<semaphore_mem>>) src(%dma_wait3A_157 : memref<128xi32, #tpu.memory_space<hbm>>) dst(%arg6 : memref<128xi32, #tpu.memory_space<vmem>>)
      %dma_wait3A_158 = arith.constant 0 : i32
      %dma_wait3A_159 = arith.constant 0 : i32
      %dma_wait3A_160 = tpu.memref_slice %arg2[%dma_wait3A_158, %dma_wait3A_159] : memref<320000x128xf32, #tpu.memory_space<hbm>> -> memref<128x128xf32, #tpu.memory_space<hbm>>
      %dma_wait3A_161 = arith.constant 0 : i32
      %dma_wait3A_162 = arith.constant 0 : i32
      %dma_wait3A_163 = tpu.memref_slice %arg2[%dma_wait3A_161, %dma_wait3A_162] : memref<320000x128xf32, #tpu.memory_space<hbm>> -> memref<128x128xf32, #tpu.memory_space<hbm>>
      tpu.wait_dma2 semaphore(%arg16 : memref<!tpu.dma_semaphore, #tpu.memory_space<semaphore_mem>>) src(%dma_wait3A_163 : memref<128x128xf32, #tpu.memory_space<hbm>>) dst(%arg9 : memref<128x128xf32, #tpu.memory_space<vmem>>)
      %dma_start3A_164 = arith.constant 0 : i32
      %dma_start3A_165 = arith.constant 0 : i32
      %dma_start3A_166 = tpu.memref_slice %arg11[%dma_start3A_164, %dma_start3A_165] : memref<10112x128xf32, #tpu.memory_space<vmem_shared>> -> memref<10112x128xf32, #tpu.memory_space<vmem_shared>>
      tpu.enqueue_indirect_dma source(%arg9 : memref<128x128xf32, #tpu.memory_space<vmem>>) target(%dma_start3A_166 : memref<10112x128xf32, #tpu.memory_space<vmem_shared>>) offsets(%arg6 : memref<128xi32, #tpu.memory_space<vmem>>) semaphore(%arg19 : memref<!tpu.dma_semaphore, #tpu.memory_space<semaphore_mem>>) {add = true}
      %dma_wait3A_167 = arith.constant 0 : i32
      %dma_wait3A_168 = arith.constant 0 : i32
      %dma_wait3A_169 = tpu.memref_slice %arg11[%dma_wait3A_167, %dma_wait3A_168] : memref<10112x128xf32, #tpu.memory_space<vmem_shared>> -> memref<10112x128xf32, #tpu.memory_space<vmem_shared>>
      tpu.wait_indirect_dma semaphore(%arg18 : memref<!tpu.dma_semaphore, #tpu.memory_space<semaphore_mem>>) src(%arg8 : memref<128x128xf32, #tpu.memory_space<vmem>>) dst(%dma_wait3A_169 : memref<10112x128xf32, #tpu.memory_space<vmem_shared>>)
      %add3A_170 = arith.constant 2 : i32
      %add3A_171 = arith.addi %add3A_153, %add3A_170 : i32
      %mul3A_172 = arith.constant 32 : i32
      %mul3A_173 = arith.muli %add3A_171, %mul3A_172 : i32
      %add3A_174 = arith.addi %mul3A_173, %add3A : i32
      %lt3A_175 = arith.constant 2500 : i32
      %lt3A_176 = arith.cmpi slt, %add3A_174, %lt3A_175 : i32
      %convert_element_type3A_177 = arith.extui %lt3A_176 : i1 to i32
      %cond3A_178 = arith.constant 0 : i32
      %cond3A_179 = arith.cmpi ne, %convert_element_type3A_177, %cond3A_178 : i32
      scf.if %cond3A_179 {
        %mul3A_208 = arith.constant 128 : i32
        %mul3A_209 = arith.muli %add3A_174, %mul3A_208 : i32
        %dma_start3A_210 = tpu.memref_slice %arg3[%mul3A_209] : memref<320000xi32, #tpu.memory_space<hbm>> -> memref<128xi32, #tpu.memory_space<hbm>>
        %dma_start3A_211 = tpu.memref_slice %arg3[%mul3A_209] : memref<320000xi32, #tpu.memory_space<hbm>> -> memref<128xi32, #tpu.memory_space<hbm>>
        tpu.enqueue_dma source(%dma_start3A_211 : memref<128xi32, #tpu.memory_space<hbm>>) target(%arg5 : memref<128xi32, #tpu.memory_space<vmem>>) target_semaphore(%arg12 : memref<!tpu.dma_semaphore, #tpu.memory_space<semaphore_mem>>)
        %mul3A_212 = arith.constant 128 : i32
        %mul3A_213 = arith.muli %add3A_174, %mul3A_212 : i32
        %dma_start3A_214 = arith.constant 0 : i32
        %dma_start3A_215 = tpu.memref_slice %arg2[%mul3A_213, %dma_start3A_214] : memref<320000x128xf32, #tpu.memory_space<hbm>> -> memref<128x128xf32, #tpu.memory_space<hbm>>
        %dma_start3A_216 = arith.constant 0 : i32
        %dma_start3A_217 = tpu.memref_slice %arg2[%mul3A_213, %dma_start3A_216] : memref<320000x128xf32, #tpu.memory_space<hbm>> -> memref<128x128xf32, #tpu.memory_space<hbm>>
        tpu.enqueue_dma source(%dma_start3A_217 : memref<128x128xf32, #tpu.memory_space<hbm>>) target(%arg8 : memref<128x128xf32, #tpu.memory_space<vmem>>) target_semaphore(%arg15 : memref<!tpu.dma_semaphore, #tpu.memory_space<semaphore_mem>>)
      } else {
      }
      %add3A_180 = arith.constant 2 : i32
      %add3A_181 = arith.addi %mul3A_125, %add3A_180 : i32
      %dma_wait3A_182 = arith.constant 0 : i32
      %dma_wait3A_183 = tpu.memref_slice %arg3[%dma_wait3A_182] : memref<320000xi32, #tpu.memory_space<hbm>> -> memref<128xi32, #tpu.memory_space<hbm>>
      %dma_wait3A_184 = arith.constant 0 : i32
      %dma_wait3A_185 = tpu.memref_slice %arg3[%dma_wait3A_184] : memref<320000xi32, #tpu.memory_space<hbm>> -> memref<128xi32, #tpu.memory_space<hbm>>
      tpu.wait_dma2 semaphore(%arg14 : memref<!tpu.dma_semaphore, #tpu.memory_space<semaphore_mem>>) src(%dma_wait3A_185 : memref<128xi32, #tpu.memory_space<hbm>>) dst(%arg7 : memref<128xi32, #tpu.memory_space<vmem>>)
      %dma_wait3A_186 = arith.constant 0 : i32
      %dma_wait3A_187 = arith.constant 0 : i32
      %dma_wait3A_188 = tpu.memref_slice %arg2[%dma_wait3A_186, %dma_wait3A_187] : memref<320000x128xf32, #tpu.memory_space<hbm>> -> memref<128x128xf32, #tpu.memory_space<hbm>>
      %dma_wait3A_189 = arith.constant 0 : i32
      %dma_wait3A_190 = arith.constant 0 : i32
      %dma_wait3A_191 = tpu.memref_slice %arg2[%dma_wait3A_189, %dma_wait3A_190] : memref<320000x128xf32, #tpu.memory_space<hbm>> -> memref<128x128xf32, #tpu.memory_space<hbm>>
      tpu.wait_dma2 semaphore(%arg17 : memref<!tpu.dma_semaphore, #tpu.memory_space<semaphore_mem>>) src(%dma_wait3A_191 : memref<128x128xf32, #tpu.memory_space<hbm>>) dst(%arg10 : memref<128x128xf32, #tpu.memory_space<vmem>>)
      %dma_start3A_192 = arith.constant 0 : i32
      %dma_start3A_193 = arith.constant 0 : i32
      %dma_start3A_194 = tpu.memref_slice %arg11[%dma_start3A_192, %dma_start3A_193] : memref<10112x128xf32, #tpu.memory_space<vmem_shared>> -> memref<10112x128xf32, #tpu.memory_space<vmem_shared>>
      tpu.enqueue_indirect_dma source(%arg10 : memref<128x128xf32, #tpu.memory_space<vmem>>) target(%dma_start3A_194 : memref<10112x128xf32, #tpu.memory_space<vmem_shared>>) offsets(%arg7 : memref<128xi32, #tpu.memory_space<vmem>>) semaphore(%arg20 : memref<!tpu.dma_semaphore, #tpu.memory_space<semaphore_mem>>) {add = true}
      %dma_wait3A_195 = arith.constant 0 : i32
      %dma_wait3A_196 = arith.constant 0 : i32
      %dma_wait3A_197 = tpu.memref_slice %arg11[%dma_wait3A_195, %dma_wait3A_196] : memref<10112x128xf32, #tpu.memory_space<vmem_shared>> -> memref<10112x128xf32, #tpu.memory_space<vmem_shared>>
      tpu.wait_indirect_dma semaphore(%arg19 : memref<!tpu.dma_semaphore, #tpu.memory_space<semaphore_mem>>) src(%arg9 : memref<128x128xf32, #tpu.memory_space<vmem>>) dst(%dma_wait3A_197 : memref<10112x128xf32, #tpu.memory_space<vmem_shared>>)
      %add3A_198 = arith.constant 2 : i32
      %add3A_199 = arith.addi %add3A_181, %add3A_198 : i32
      %mul3A_200 = arith.constant 32 : i32
      %mul3A_201 = arith.muli %add3A_199, %mul3A_200 : i32
      %add3A_202 = arith.addi %mul3A_201, %add3A : i32
      %lt3A_203 = arith.constant 2500 : i32
      %lt3A_204 = arith.cmpi slt, %add3A_202, %lt3A_203 : i32
      %convert_element_type3A_205 = arith.extui %lt3A_204 : i1 to i32
      %cond3A_206 = arith.constant 0 : i32
      %cond3A_207 = arith.cmpi ne, %convert_element_type3A_205, %cond3A_206 : i32
      scf.if %cond3A_207 {
        %mul3A_208 = arith.constant 128 : i32
        %mul3A_209 = arith.muli %add3A_202, %mul3A_208 : i32
        %dma_start3A_210 = tpu.memref_slice %arg3[%mul3A_209] : memref<320000xi32, #tpu.memory_space<hbm>> -> memref<128xi32, #tpu.memory_space<hbm>>
        %dma_start3A_211 = tpu.memref_slice %arg3[%mul3A_209] : memref<320000xi32, #tpu.memory_space<hbm>> -> memref<128xi32, #tpu.memory_space<hbm>>
        tpu.enqueue_dma source(%dma_start3A_211 : memref<128xi32, #tpu.memory_space<hbm>>) target(%arg6 : memref<128xi32, #tpu.memory_space<vmem>>) target_semaphore(%arg13 : memref<!tpu.dma_semaphore, #tpu.memory_space<semaphore_mem>>)
        %mul3A_212 = arith.constant 128 : i32
        %mul3A_213 = arith.muli %add3A_202, %mul3A_212 : i32
        %dma_start3A_214 = arith.constant 0 : i32
        %dma_start3A_215 = tpu.memref_slice %arg2[%mul3A_213, %dma_start3A_214] : memref<320000x128xf32, #tpu.memory_space<hbm>> -> memref<128x128xf32, #tpu.memory_space<hbm>>
        %dma_start3A_216 = arith.constant 0 : i32
        %dma_start3A_217 = tpu.memref_slice %arg2[%mul3A_213, %dma_start3A_216] : memref<320000x128xf32, #tpu.memory_space<hbm>> -> memref<128x128xf32, #tpu.memory_space<hbm>>
        tpu.enqueue_dma source(%dma_start3A_217 : memref<128x128xf32, #tpu.memory_space<hbm>>) target(%arg9 : memref<128x128xf32, #tpu.memory_space<vmem>>) target_semaphore(%arg16 : memref<!tpu.dma_semaphore, #tpu.memory_space<semaphore_mem>>)
      } else {
      }
    }
    %scan3A_98 = arith.constant 25 : i32
    %lt3A_99 = arith.constant 4 : i32
    %lt3A_100 = arith.cmpi slt, %add3A, %lt3A_99 : i32
    %convert_element_type3A_101 = arith.extui %lt3A_100 : i1 to i32
    %cond3A_102 = arith.constant 0 : i32
    %cond3A_103 = arith.cmpi ne, %convert_element_type3A_101, %cond3A_102 : i32
    scf.if %cond3A_103 {
      %dma_wait3A_123 = arith.constant 0 : i32
      %dma_wait3A_124 = tpu.memref_slice %arg3[%dma_wait3A_123] : memref<320000xi32, #tpu.memory_space<hbm>> -> memref<128xi32, #tpu.memory_space<hbm>>
      %dma_wait3A_125 = arith.constant 0 : i32
      %dma_wait3A_126 = tpu.memref_slice %arg3[%dma_wait3A_125] : memref<320000xi32, #tpu.memory_space<hbm>> -> memref<128xi32, #tpu.memory_space<hbm>>
      tpu.wait_dma2 semaphore(%arg12 : memref<!tpu.dma_semaphore, #tpu.memory_space<semaphore_mem>>) src(%dma_wait3A_126 : memref<128xi32, #tpu.memory_space<hbm>>) dst(%arg5 : memref<128xi32, #tpu.memory_space<vmem>>)
      %dma_wait3A_127 = arith.constant 0 : i32
      %dma_wait3A_128 = arith.constant 0 : i32
      %dma_wait3A_129 = tpu.memref_slice %arg2[%dma_wait3A_127, %dma_wait3A_128] : memref<320000x128xf32, #tpu.memory_space<hbm>> -> memref<128x128xf32, #tpu.memory_space<hbm>>
      %dma_wait3A_130 = arith.constant 0 : i32
      %dma_wait3A_131 = arith.constant 0 : i32
      %dma_wait3A_132 = tpu.memref_slice %arg2[%dma_wait3A_130, %dma_wait3A_131] : memref<320000x128xf32, #tpu.memory_space<hbm>> -> memref<128x128xf32, #tpu.memory_space<hbm>>
      tpu.wait_dma2 semaphore(%arg15 : memref<!tpu.dma_semaphore, #tpu.memory_space<semaphore_mem>>) src(%dma_wait3A_132 : memref<128x128xf32, #tpu.memory_space<hbm>>) dst(%arg8 : memref<128x128xf32, #tpu.memory_space<vmem>>)
      %dma_start3A_133 = arith.constant 0 : i32
      %dma_start3A_134 = arith.constant 0 : i32
      %dma_start3A_135 = tpu.memref_slice %arg11[%dma_start3A_133, %dma_start3A_134] : memref<10112x128xf32, #tpu.memory_space<vmem_shared>> -> memref<10112x128xf32, #tpu.memory_space<vmem_shared>>
      tpu.enqueue_indirect_dma source(%arg8 : memref<128x128xf32, #tpu.memory_space<vmem>>) target(%dma_start3A_135 : memref<10112x128xf32, #tpu.memory_space<vmem_shared>>) offsets(%arg5 : memref<128xi32, #tpu.memory_space<vmem>>) semaphore(%arg18 : memref<!tpu.dma_semaphore, #tpu.memory_space<semaphore_mem>>) {add = true}
      %add3A_136 = arith.constant 2560 : i32
      %add3A_137 = arith.addi %add3A_136, %add3A : i32
      %lt3A_138 = arith.constant 2500 : i32
      %lt3A_139 = arith.cmpi slt, %add3A_137, %lt3A_138 : i32
      %convert_element_type3A_140 = arith.extui %lt3A_139 : i1 to i32
      %cond3A_141 = arith.constant 0 : i32
      %cond3A_142 = arith.cmpi ne, %convert_element_type3A_140, %cond3A_141 : i32
      scf.if %cond3A_142 {
        %mul3A_143 = arith.constant 128 : i32
        %mul3A_144 = arith.muli %add3A_137, %mul3A_143 : i32
        %dma_start3A_145 = tpu.memref_slice %arg3[%mul3A_144] : memref<320000xi32, #tpu.memory_space<hbm>> -> memref<128xi32, #tpu.memory_space<hbm>>
        %dma_start3A_146 = tpu.memref_slice %arg3[%mul3A_144] : memref<320000xi32, #tpu.memory_space<hbm>> -> memref<128xi32, #tpu.memory_space<hbm>>
        tpu.enqueue_dma source(%dma_start3A_146 : memref<128xi32, #tpu.memory_space<hbm>>) target(%arg7 : memref<128xi32, #tpu.memory_space<vmem>>) target_semaphore(%arg14 : memref<!tpu.dma_semaphore, #tpu.memory_space<semaphore_mem>>)
        %mul3A_147 = arith.constant 128 : i32
        %mul3A_148 = arith.muli %add3A_137, %mul3A_147 : i32
        %dma_start3A_149 = arith.constant 0 : i32
        %dma_start3A_150 = tpu.memref_slice %arg2[%mul3A_148, %dma_start3A_149] : memref<320000x128xf32, #tpu.memory_space<hbm>> -> memref<128x128xf32, #tpu.memory_space<hbm>>
        %dma_start3A_151 = arith.constant 0 : i32
        %dma_start3A_152 = tpu.memref_slice %arg2[%mul3A_148, %dma_start3A_151] : memref<320000x128xf32, #tpu.memory_space<hbm>> -> memref<128x128xf32, #tpu.memory_space<hbm>>
        tpu.enqueue_dma source(%dma_start3A_152 : memref<128x128xf32, #tpu.memory_space<hbm>>) target(%arg10 : memref<128x128xf32, #tpu.memory_space<vmem>>) target_semaphore(%arg17 : memref<!tpu.dma_semaphore, #tpu.memory_space<semaphore_mem>>)
      } else {
      }
    } else {
    }
    %dma_wait3A_104 = arith.constant 0 : i32
    %dma_wait3A_105 = arith.constant 0 : i32
    %dma_wait3A_106 = tpu.memref_slice %arg11[%dma_wait3A_104, %dma_wait3A_105] : memref<10112x128xf32, #tpu.memory_space<vmem_shared>> -> memref<10112x128xf32, #tpu.memory_space<vmem_shared>>
    tpu.wait_indirect_dma semaphore(%arg20 : memref<!tpu.dma_semaphore, #tpu.memory_space<semaphore_mem>>) src(%arg10 : memref<128x128xf32, #tpu.memory_space<vmem>>) dst(%dma_wait3A_106 : memref<10112x128xf32, #tpu.memory_space<vmem_shared>>)
    %lt3A_107 = arith.constant 4 : i32
    %lt3A_108 = arith.cmpi slt, %add3A, %lt3A_107 : i32
    %convert_element_type3A_109 = arith.extui %lt3A_108 : i1 to i32
    %cond3A_110 = arith.constant 0 : i32
    %cond3A_111 = arith.cmpi ne, %convert_element_type3A_109, %cond3A_110 : i32
    scf.if %cond3A_111 {
      %dma_wait3A_123 = arith.constant 0 : i32
      %dma_wait3A_124 = arith.constant 0 : i32
      %dma_wait3A_125 = tpu.memref_slice %arg11[%dma_wait3A_123, %dma_wait3A_124] : memref<10112x128xf32, #tpu.memory_space<vmem_shared>> -> memref<10112x128xf32, #tpu.memory_space<vmem_shared>>
      tpu.wait_indirect_dma semaphore(%arg18 : memref<!tpu.dma_semaphore, #tpu.memory_space<semaphore_mem>>) src(%arg8 : memref<128x128xf32, #tpu.memory_space<vmem>>) dst(%dma_wait3A_125 : memref<10112x128xf32, #tpu.memory_space<vmem_shared>>)
    } else {
    }
    %barrier3A_112 = arith.constant 0 : index
    tpu.barrier barrier_id(%barrier3A_112)
    %add3A_113 = arith.constant 0 : i32
    %add3A_114 = arith.addi %mul3A_7, %add3A_113 : i32
    "tpu.region"() ({
      %run_scoped3A = tpu.sem_alloc : memref<!tpu.dma_semaphore, #tpu.memory_space<semaphore_mem>>
      %dma_start3A_123 = arith.constant 0 : i32
      %dma_start3A_124 = tpu.memref_slice %arg4[%arg0, %add3A_114, %dma_start3A_123] : memref<2x10112x128xf32, #tpu.memory_space<hbm>> -> memref<1x128x128xf32, #tpu.memory_space<hbm>>
      %dma_start3A_125 = tpu.memref_squeeze %dma_start3A_124 : memref<1x128x128xf32, #tpu.memory_space<hbm>> -> memref<128x128xf32, #tpu.memory_space<hbm>>
      %dma_start3A_126 = arith.constant 0 : i32
      %dma_start3A_127 = tpu.memref_slice %arg11[%add3A_114, %dma_start3A_126] : memref<10112x128xf32, #tpu.memory_space<vmem_shared>> -> memref<128x128xf32, #tpu.memory_space<vmem_shared>>
      tpu.enqueue_dma source(%dma_start3A_127 : memref<128x128xf32, #tpu.memory_space<vmem_shared>>) target(%dma_start3A_125 : memref<128x128xf32, #tpu.memory_space<hbm>>) target_semaphore(%run_scoped3A : memref<!tpu.dma_semaphore, #tpu.memory_space<semaphore_mem>>)
      %dma_wait3A_128 = arith.constant 0 : i32
      %dma_wait3A_129 = tpu.memref_slice %arg4[%arg0, %add3A_114, %dma_wait3A_128] : memref<2x10112x128xf32, #tpu.memory_space<hbm>> -> memref<1x128x128xf32, #tpu.memory_space<hbm>>
      %dma_wait3A_130 = tpu.memref_squeeze %dma_wait3A_129 : memref<1x128x128xf32, #tpu.memory_space<hbm>> -> memref<128x128xf32, #tpu.memory_space<hbm>>
      %dma_wait3A_131 = arith.constant 0 : i32
      %dma_wait3A_132 = tpu.memref_slice %arg11[%add3A_114, %dma_wait3A_131] : memref<10112x128xf32, #tpu.memory_space<vmem_shared>> -> memref<128x128xf32, #tpu.memory_space<vmem_shared>>
      tpu.wait_dma2 semaphore(%run_scoped3A : memref<!tpu.dma_semaphore, #tpu.memory_space<semaphore_mem>>) src(%dma_wait3A_132 : memref<128x128xf32, #tpu.memory_space<vmem_shared>>) dst(%dma_wait3A_130 : memref<128x128xf32, #tpu.memory_space<hbm>>)
      tpu.yield
    }) : () -> ()
    %add3A_115 = arith.constant 128 : i32
    %add3A_116 = arith.addi %mul3A_7, %add3A_115 : i32
    "tpu.region"() ({
      %run_scoped3A = tpu.sem_alloc : memref<!tpu.dma_semaphore, #tpu.memory_space<semaphore_mem>>
      %dma_start3A_123 = arith.constant 0 : i32
      %dma_start3A_124 = tpu.memref_slice %arg4[%arg0, %add3A_116, %dma_start3A_123] : memref<2x10112x128xf32, #tpu.memory_space<hbm>> -> memref<1x128x128xf32, #tpu.memory_space<hbm>>
      %dma_start3A_125 = tpu.memref_squeeze %dma_start3A_124 : memref<1x128x128xf32, #tpu.memory_space<hbm>> -> memref<128x128xf32, #tpu.memory_space<hbm>>
      %dma_start3A_126 = arith.constant 0 : i32
      %dma_start3A_127 = tpu.memref_slice %arg11[%add3A_116, %dma_start3A_126] : memref<10112x128xf32, #tpu.memory_space<vmem_shared>> -> memref<128x128xf32, #tpu.memory_space<vmem_shared>>
      tpu.enqueue_dma source(%dma_start3A_127 : memref<128x128xf32, #tpu.memory_space<vmem_shared>>) target(%dma_start3A_125 : memref<128x128xf32, #tpu.memory_space<hbm>>) target_semaphore(%run_scoped3A : memref<!tpu.dma_semaphore, #tpu.memory_space<semaphore_mem>>)
      %dma_wait3A_128 = arith.constant 0 : i32
      %dma_wait3A_129 = tpu.memref_slice %arg4[%arg0, %add3A_116, %dma_wait3A_128] : memref<2x10112x128xf32, #tpu.memory_space<hbm>> -> memref<1x128x128xf32, #tpu.memory_space<hbm>>
      %dma_wait3A_130 = tpu.memref_squeeze %dma_wait3A_129 : memref<1x128x128xf32, #tpu.memory_space<hbm>> -> memref<128x128xf32, #tpu.memory_space<hbm>>
      %dma_wait3A_131 = arith.constant 0 : i32
      %dma_wait3A_132 = tpu.memref_slice %arg11[%add3A_116, %dma_wait3A_131] : memref<10112x128xf32, #tpu.memory_space<vmem_shared>> -> memref<128x128xf32, #tpu.memory_space<vmem_shared>>
      tpu.wait_dma2 semaphore(%run_scoped3A : memref<!tpu.dma_semaphore, #tpu.memory_space<semaphore_mem>>) src(%dma_wait3A_132 : memref<128x128xf32, #tpu.memory_space<vmem_shared>>) dst(%dma_wait3A_130 : memref<128x128xf32, #tpu.memory_space<hbm>>)
      tpu.yield
    }) : () -> ()
    %add3A_117 = arith.constant 256 : i32
    %add3A_118 = arith.addi %mul3A_7, %add3A_117 : i32
    "tpu.region"() ({
      %run_scoped3A = tpu.sem_alloc : memref<!tpu.dma_semaphore, #tpu.memory_space<semaphore_mem>>
      %dma_start3A_123 = arith.constant 0 : i32
      %dma_start3A_124 = tpu.memref_slice %arg4[%arg0, %add3A_118, %dma_start3A_123] : memref<2x10112x128xf32, #tpu.memory_space<hbm>> -> memref<1x128x128xf32, #tpu.memory_space<hbm>>
      %dma_start3A_125 = tpu.memref_squeeze %dma_start3A_124 : memref<1x128x128xf32, #tpu.memory_space<hbm>> -> memref<128x128xf32, #tpu.memory_space<hbm>>
      %dma_start3A_126 = arith.constant 0 : i32
      %dma_start3A_127 = tpu.memref_slice %arg11[%add3A_118, %dma_start3A_126] : memref<10112x128xf32, #tpu.memory_space<vmem_shared>> -> memref<128x128xf32, #tpu.memory_space<vmem_shared>>
      tpu.enqueue_dma source(%dma_start3A_127 : memref<128x128xf32, #tpu.memory_space<vmem_shared>>) target(%dma_start3A_125 : memref<128x128xf32, #tpu.memory_space<hbm>>) target_semaphore(%run_scoped3A : memref<!tpu.dma_semaphore, #tpu.memory_space<semaphore_mem>>)
      %dma_wait3A_128 = arith.constant 0 : i32
      %dma_wait3A_129 = tpu.memref_slice %arg4[%arg0, %add3A_118, %dma_wait3A_128] : memref<2x10112x128xf32, #tpu.memory_space<hbm>> -> memref<1x128x128xf32, #tpu.memory_space<hbm>>
      %dma_wait3A_130 = tpu.memref_squeeze %dma_wait3A_129 : memref<1x128x128xf32, #tpu.memory_space<hbm>> -> memref<128x128xf32, #tpu.memory_space<hbm>>
      %dma_wait3A_131 = arith.constant 0 : i32
      %dma_wait3A_132 = tpu.memref_slice %arg11[%add3A_118, %dma_wait3A_131] : memref<10112x128xf32, #tpu.memory_space<vmem_shared>> -> memref<128x128xf32, #tpu.memory_space<vmem_shared>>
      tpu.wait_dma2 semaphore(%run_scoped3A : memref<!tpu.dma_semaphore, #tpu.memory_space<semaphore_mem>>) src(%dma_wait3A_132 : memref<128x128xf32, #tpu.memory_space<vmem_shared>>) dst(%dma_wait3A_130 : memref<128x128xf32, #tpu.memory_space<hbm>>)
      tpu.yield
    }) : () -> ()
    %add3A_119 = arith.constant 384 : i32
    %add3A_120 = arith.addi %mul3A_7, %add3A_119 : i32
    "tpu.region"() ({
      %run_scoped3A = tpu.sem_alloc : memref<!tpu.dma_semaphore, #tpu.memory_space<semaphore_mem>>
      %dma_start3A_123 = arith.constant 0 : i32
      %dma_start3A_124 = tpu.memref_slice %arg4[%arg0, %add3A_120, %dma_start3A_123] : memref<2x10112x128xf32, #tpu.memory_space<hbm>> -> memref<1x128x128xf32, #tpu.memory_space<hbm>>
      %dma_start3A_125 = tpu.memref_squeeze %dma_start3A_124 : memref<1x128x128xf32, #tpu.memory_space<hbm>> -> memref<128x128xf32, #tpu.memory_space<hbm>>
      %dma_start3A_126 = arith.constant 0 : i32
      %dma_start3A_127 = tpu.memref_slice %arg11[%add3A_120, %dma_start3A_126] : memref<10112x128xf32, #tpu.memory_space<vmem_shared>> -> memref<128x128xf32, #tpu.memory_space<vmem_shared>>
      tpu.enqueue_dma source(%dma_start3A_127 : memref<128x128xf32, #tpu.memory_space<vmem_shared>>) target(%dma_start3A_125 : memref<128x128xf32, #tpu.memory_space<hbm>>) target_semaphore(%run_scoped3A : memref<!tpu.dma_semaphore, #tpu.memory_space<semaphore_mem>>)
      %dma_wait3A_128 = arith.constant 0 : i32
      %dma_wait3A_129 = tpu.memref_slice %arg4[%arg0, %add3A_120, %dma_wait3A_128] : memref<2x10112x128xf32, #tpu.memory_space<hbm>> -> memref<1x128x128xf32, #tpu.memory_space<hbm>>
      %dma_wait3A_130 = tpu.memref_squeeze %dma_wait3A_129 : memref<1x128x128xf32, #tpu.memory_space<hbm>> -> memref<128x128xf32, #tpu.memory_space<hbm>>
      %dma_wait3A_131 = arith.constant 0 : i32
      %dma_wait3A_132 = tpu.memref_slice %arg11[%add3A_120, %dma_wait3A_131] : memref<10112x128xf32, #tpu.memory_space<vmem_shared>> -> memref<128x128xf32, #tpu.memory_space<vmem_shared>>
      tpu.wait_dma2 semaphore(%run_scoped3A : memref<!tpu.dma_semaphore, #tpu.memory_space<semaphore_mem>>) src(%dma_wait3A_132 : memref<128x128xf32, #tpu.memory_space<vmem_shared>>) dst(%dma_wait3A_130 : memref<128x128xf32, #tpu.memory_space<hbm>>)
      tpu.yield
    }) : () -> ()
    %add3A_121 = arith.constant 512 : i32
    %add3A_122 = arith.addi %mul3A_7, %add3A_121 : i32
    "tpu.region"() ({
      %run_scoped3A = tpu.sem_alloc : memref<!tpu.dma_semaphore, #tpu.memory_space<semaphore_mem>>
      %dma_start3A_123 = arith.constant 0 : i32
      %dma_start3A_124 = tpu.memref_slice %arg4[%arg0, %add3A_122, %dma_start3A_123] : memref<2x10112x128xf32, #tpu.memory_space<hbm>> -> memref<1x120x128xf32, #tpu.memory_space<hbm>>
      %dma_start3A_125 = tpu.memref_squeeze %dma_start3A_124 : memref<1x120x128xf32, #tpu.memory_space<hbm>> -> memref<120x128xf32, #tpu.memory_space<hbm>>
      %dma_start3A_126 = arith.constant 0 : i32
      %dma_start3A_127 = tpu.memref_slice %arg11[%add3A_122, %dma_start3A_126] : memref<10112x128xf32, #tpu.memory_space<vmem_shared>> -> memref<120x128xf32, #tpu.memory_space<vmem_shared>>
      tpu.enqueue_dma source(%dma_start3A_127 : memref<120x128xf32, #tpu.memory_space<vmem_shared>>) target(%dma_start3A_125 : memref<120x128xf32, #tpu.memory_space<hbm>>) target_semaphore(%run_scoped3A : memref<!tpu.dma_semaphore, #tpu.memory_space<semaphore_mem>>)
      %dma_wait3A_128 = arith.constant 0 : i32
      %dma_wait3A_129 = tpu.memref_slice %arg4[%arg0, %add3A_122, %dma_wait3A_128] : memref<2x10112x128xf32, #tpu.memory_space<hbm>> -> memref<1x120x128xf32, #tpu.memory_space<hbm>>
      %dma_wait3A_130 = tpu.memref_squeeze %dma_wait3A_129 : memref<1x120x128xf32, #tpu.memory_space<hbm>> -> memref<120x128xf32, #tpu.memory_space<hbm>>
      %dma_wait3A_131 = arith.constant 0 : i32
      %dma_wait3A_132 = tpu.memref_slice %arg11[%add3A_122, %dma_wait3A_131] : memref<10112x128xf32, #tpu.memory_space<vmem_shared>> -> memref<120x128xf32, #tpu.memory_space<vmem_shared>>
      tpu.wait_dma2 semaphore(%run_scoped3A : memref<!tpu.dma_semaphore, #tpu.memory_space<semaphore_mem>>) src(%dma_wait3A_132 : memref<120x128xf32, #tpu.memory_space<vmem_shared>>) dst(%dma_wait3A_130 : memref<120x128xf32, #tpu.memory_space<hbm>>)
      tpu.yield
    }) : () -> ()
    return
  }
}

#map = affine_map<(d0, d1) -> (0, 0)>
#map1 = affine_map<(d0, d1) -> (0)>
#map2 = affine_map<(d0, d1) -> (0, 0, 0)>
module attributes {stable_mosaic.version = 14 : i64} {
  func.func @gather_k(%arg0: i32, %arg1: i32, %arg2: memref<10000x128xf32, #tpu.memory_space<hbm>>, %arg3: memref<10000x128xf32, #tpu.memory_space<hbm>>, %arg4: memref<327680xi32, #tpu.memory_space<hbm>>, %arg5: memref<327680xi32, #tpu.memory_space<hbm>>, %arg6: memref<2x323584x128xf32, #tpu.memory_space<hbm>>, %arg7: memref<128xi32, #tpu.memory_space<vmem>>, %arg8: memref<128xi32, #tpu.memory_space<vmem>>, %arg9: memref<128x128xf32, #tpu.memory_space<vmem>>, %arg10: memref<128x128xf32, #tpu.memory_space<vmem>>, %arg11: memref<10000x128xf32, #tpu.memory_space<vmem_shared>>, %arg12: memref<!tpu.dma_semaphore, #tpu.memory_space<semaphore_mem>>, %arg13: memref<!tpu.dma_semaphore, #tpu.memory_space<semaphore_mem>>, %arg14: memref<!tpu.dma_semaphore, #tpu.memory_space<semaphore_mem>>, %arg15: memref<!tpu.dma_semaphore, #tpu.memory_space<semaphore_mem>>, %arg16: memref<!tpu.dma_semaphore, #tpu.memory_space<semaphore_mem>>, %arg17: memref<!tpu.dma_semaphore, #tpu.memory_space<semaphore_mem>>) attributes {dimension_semantics = [#tpu.dimension_semantics<core_parallel>, #tpu.dimension_semantics<subcore_parallel>], iteration_bounds = array<i64: 2, 16>, scalar_prefetch = 0 : i64, scratch_operands = 11 : i64, tpu.core_type = #tpu.core_type<sc_vector_subcore>, window_params = [{transform_indices = #map}, {transform_indices = #map}, {transform_indices = #map1}, {transform_indices = #map1}, {transform_indices = #map2}]} {
    %lt3A = arith.constant 15 : i32
    %lt3A_0 = arith.cmpi slt, %arg1, %lt3A : i32
    %convert_element_type3A = arith.extui %lt3A_0 : i1 to i32
    %cond3A = arith.constant 0 : i32
    %cond3A_1 = arith.cmpi ne, %convert_element_type3A, %cond3A : i32
    scf.if %cond3A_1 {
      %mul3A_125 = arith.constant 632 : i32
      %mul3A_126 = arith.muli %arg1, %mul3A_125 : i32
      %eq3A_127 = arith.constant 0 : i32
      %eq3A_128 = arith.cmpi eq, %arg0, %eq3A_127 : i32
      %convert_element_type3A_129 = arith.extui %eq3A_128 : i1 to i32
      %cond3A_130 = arith.constant 0 : i32
      %cond3A_131 = arith.cmpi ne, %convert_element_type3A_129, %cond3A_130 : i32
      scf.if %cond3A_131 {
        "tpu.region"() ({
          %run_scoped3A = tpu.sem_alloc : memref<!tpu.dma_semaphore, #tpu.memory_space<semaphore_mem>>
          %dma_start3A_137 = arith.constant 0 : i32
          %dma_start3A_138 = tpu.memref_slice %arg11[%mul3A_126, %dma_start3A_137] : memref<10000x128xf32, #tpu.memory_space<vmem_shared>> -> memref<632x128xf32, #tpu.memory_space<vmem_shared>>
          %dma_start3A_139 = arith.constant 0 : i32
          %dma_start3A_140 = tpu.memref_slice %arg2[%mul3A_126, %dma_start3A_139] : memref<10000x128xf32, #tpu.memory_space<hbm>> -> memref<632x128xf32, #tpu.memory_space<hbm>>
          tpu.enqueue_dma source(%dma_start3A_140 : memref<632x128xf32, #tpu.memory_space<hbm>>) target(%dma_start3A_138 : memref<632x128xf32, #tpu.memory_space<vmem_shared>>) target_semaphore(%run_scoped3A : memref<!tpu.dma_semaphore, #tpu.memory_space<semaphore_mem>>)
          %dma_wait3A_141 = arith.constant 0 : i32
          %dma_wait3A_142 = tpu.memref_slice %arg11[%mul3A_126, %dma_wait3A_141] : memref<10000x128xf32, #tpu.memory_space<vmem_shared>> -> memref<632x128xf32, #tpu.memory_space<vmem_shared>>
          %dma_wait3A_143 = arith.constant 0 : i32
          %dma_wait3A_144 = tpu.memref_slice %arg2[%mul3A_126, %dma_wait3A_143] : memref<10000x128xf32, #tpu.memory_space<hbm>> -> memref<632x128xf32, #tpu.memory_space<hbm>>
          tpu.wait_dma2 semaphore(%run_scoped3A : memref<!tpu.dma_semaphore, #tpu.memory_space<semaphore_mem>>) src(%dma_wait3A_144 : memref<632x128xf32, #tpu.memory_space<hbm>>) dst(%dma_wait3A_142 : memref<632x128xf32, #tpu.memory_space<vmem_shared>>)
          tpu.yield
        }) : () -> ()
      } else {
      }
      %eq3A_132 = arith.constant 1 : i32
      %eq3A_133 = arith.cmpi eq, %arg0, %eq3A_132 : i32
      %convert_element_type3A_134 = arith.extui %eq3A_133 : i1 to i32
      %cond3A_135 = arith.constant 0 : i32
      %cond3A_136 = arith.cmpi ne, %convert_element_type3A_134, %cond3A_135 : i32
      scf.if %cond3A_136 {
        "tpu.region"() ({
          %run_scoped3A = tpu.sem_alloc : memref<!tpu.dma_semaphore, #tpu.memory_space<semaphore_mem>>
          %dma_start3A_137 = arith.constant 0 : i32
          %dma_start3A_138 = tpu.memref_slice %arg11[%mul3A_126, %dma_start3A_137] : memref<10000x128xf32, #tpu.memory_space<vmem_shared>> -> memref<632x128xf32, #tpu.memory_space<vmem_shared>>
          %dma_start3A_139 = arith.constant 0 : i32
          %dma_start3A_140 = tpu.memref_slice %arg3[%mul3A_126, %dma_start3A_139] : memref<10000x128xf32, #tpu.memory_space<hbm>> -> memref<632x128xf32, #tpu.memory_space<hbm>>
          tpu.enqueue_dma source(%dma_start3A_140 : memref<632x128xf32, #tpu.memory_space<hbm>>) target(%dma_start3A_138 : memref<632x128xf32, #tpu.memory_space<vmem_shared>>) target_semaphore(%run_scoped3A : memref<!tpu.dma_semaphore, #tpu.memory_space<semaphore_mem>>)
          %dma_wait3A_141 = arith.constant 0 : i32
          %dma_wait3A_142 = tpu.memref_slice %arg11[%mul3A_126, %dma_wait3A_141] : memref<10000x128xf32, #tpu.memory_space<vmem_shared>> -> memref<632x128xf32, #tpu.memory_space<vmem_shared>>
          %dma_wait3A_143 = arith.constant 0 : i32
          %dma_wait3A_144 = tpu.memref_slice %arg3[%mul3A_126, %dma_wait3A_143] : memref<10000x128xf32, #tpu.memory_space<hbm>> -> memref<632x128xf32, #tpu.memory_space<hbm>>
          tpu.wait_dma2 semaphore(%run_scoped3A : memref<!tpu.dma_semaphore, #tpu.memory_space<semaphore_mem>>) src(%dma_wait3A_144 : memref<632x128xf32, #tpu.memory_space<hbm>>) dst(%dma_wait3A_142 : memref<632x128xf32, #tpu.memory_space<vmem_shared>>)
          tpu.yield
        }) : () -> ()
      } else {
      }
    } else {
    }
    %eq3A = arith.constant 15 : i32
    %eq3A_2 = arith.cmpi eq, %arg1, %eq3A : i32
    %convert_element_type3A_3 = arith.extui %eq3A_2 : i1 to i32
    %cond3A_4 = arith.constant 0 : i32
    %cond3A_5 = arith.cmpi ne, %convert_element_type3A_3, %cond3A_4 : i32
    scf.if %cond3A_5 {
      %eq3A_125 = arith.constant 0 : i32
      %eq3A_126 = arith.cmpi eq, %arg0, %eq3A_125 : i32
      %convert_element_type3A_127 = arith.extui %eq3A_126 : i1 to i32
      %cond3A_128 = arith.constant 0 : i32
      %cond3A_129 = arith.cmpi ne, %convert_element_type3A_127, %cond3A_128 : i32
      scf.if %cond3A_129 {
        "tpu.region"() ({
          %run_scoped3A = tpu.sem_alloc : memref<!tpu.dma_semaphore, #tpu.memory_space<semaphore_mem>>
          %dma_start3A_135 = arith.constant 9480 : i32
          %dma_start3A_136 = arith.constant 0 : i32
          %dma_start3A_137 = tpu.memref_slice %arg11[%dma_start3A_135, %dma_start3A_136] : memref<10000x128xf32, #tpu.memory_space<vmem_shared>> -> memref<520x128xf32, #tpu.memory_space<vmem_shared>>
          %dma_start3A_138 = arith.constant 9480 : i32
          %dma_start3A_139 = arith.constant 0 : i32
          %dma_start3A_140 = tpu.memref_slice %arg2[%dma_start3A_138, %dma_start3A_139] : memref<10000x128xf32, #tpu.memory_space<hbm>> -> memref<520x128xf32, #tpu.memory_space<hbm>>
          tpu.enqueue_dma source(%dma_start3A_140 : memref<520x128xf32, #tpu.memory_space<hbm>>) target(%dma_start3A_137 : memref<520x128xf32, #tpu.memory_space<vmem_shared>>) target_semaphore(%run_scoped3A : memref<!tpu.dma_semaphore, #tpu.memory_space<semaphore_mem>>)
          %dma_wait3A_141 = arith.constant 9480 : i32
          %dma_wait3A_142 = arith.constant 0 : i32
          %dma_wait3A_143 = tpu.memref_slice %arg11[%dma_wait3A_141, %dma_wait3A_142] : memref<10000x128xf32, #tpu.memory_space<vmem_shared>> -> memref<520x128xf32, #tpu.memory_space<vmem_shared>>
          %dma_wait3A_144 = arith.constant 9480 : i32
          %dma_wait3A_145 = arith.constant 0 : i32
          %dma_wait3A_146 = tpu.memref_slice %arg2[%dma_wait3A_144, %dma_wait3A_145] : memref<10000x128xf32, #tpu.memory_space<hbm>> -> memref<520x128xf32, #tpu.memory_space<hbm>>
          tpu.wait_dma2 semaphore(%run_scoped3A : memref<!tpu.dma_semaphore, #tpu.memory_space<semaphore_mem>>) src(%dma_wait3A_146 : memref<520x128xf32, #tpu.memory_space<hbm>>) dst(%dma_wait3A_143 : memref<520x128xf32, #tpu.memory_space<vmem_shared>>)
          tpu.yield
        }) : () -> ()
      } else {
      }
      %eq3A_130 = arith.constant 1 : i32
      %eq3A_131 = arith.cmpi eq, %arg0, %eq3A_130 : i32
      %convert_element_type3A_132 = arith.extui %eq3A_131 : i1 to i32
      %cond3A_133 = arith.constant 0 : i32
      %cond3A_134 = arith.cmpi ne, %convert_element_type3A_132, %cond3A_133 : i32
      scf.if %cond3A_134 {
        "tpu.region"() ({
          %run_scoped3A = tpu.sem_alloc : memref<!tpu.dma_semaphore, #tpu.memory_space<semaphore_mem>>
          %dma_start3A_135 = arith.constant 9480 : i32
          %dma_start3A_136 = arith.constant 0 : i32
          %dma_start3A_137 = tpu.memref_slice %arg11[%dma_start3A_135, %dma_start3A_136] : memref<10000x128xf32, #tpu.memory_space<vmem_shared>> -> memref<520x128xf32, #tpu.memory_space<vmem_shared>>
          %dma_start3A_138 = arith.constant 9480 : i32
          %dma_start3A_139 = arith.constant 0 : i32
          %dma_start3A_140 = tpu.memref_slice %arg3[%dma_start3A_138, %dma_start3A_139] : memref<10000x128xf32, #tpu.memory_space<hbm>> -> memref<520x128xf32, #tpu.memory_space<hbm>>
          tpu.enqueue_dma source(%dma_start3A_140 : memref<520x128xf32, #tpu.memory_space<hbm>>) target(%dma_start3A_137 : memref<520x128xf32, #tpu.memory_space<vmem_shared>>) target_semaphore(%run_scoped3A : memref<!tpu.dma_semaphore, #tpu.memory_space<semaphore_mem>>)
          %dma_wait3A_141 = arith.constant 9480 : i32
          %dma_wait3A_142 = arith.constant 0 : i32
          %dma_wait3A_143 = tpu.memref_slice %arg11[%dma_wait3A_141, %dma_wait3A_142] : memref<10000x128xf32, #tpu.memory_space<vmem_shared>> -> memref<520x128xf32, #tpu.memory_space<vmem_shared>>
          %dma_wait3A_144 = arith.constant 9480 : i32
          %dma_wait3A_145 = arith.constant 0 : i32
          %dma_wait3A_146 = tpu.memref_slice %arg3[%dma_wait3A_144, %dma_wait3A_145] : memref<10000x128xf32, #tpu.memory_space<hbm>> -> memref<520x128xf32, #tpu.memory_space<hbm>>
          tpu.wait_dma2 semaphore(%run_scoped3A : memref<!tpu.dma_semaphore, #tpu.memory_space<semaphore_mem>>) src(%dma_wait3A_146 : memref<520x128xf32, #tpu.memory_space<hbm>>) dst(%dma_wait3A_143 : memref<520x128xf32, #tpu.memory_space<vmem_shared>>)
          tpu.yield
        }) : () -> ()
      } else {
      }
    } else {
    }
    %barrier3A = arith.constant 0 : index
    tpu.barrier barrier_id(%barrier3A)
    %add3A = arith.constant 0 : i32
    %add3A_6 = arith.addi %add3A, %arg1 : i32
    %eq3A_7 = arith.constant 0 : i32
    %eq3A_8 = arith.cmpi eq, %arg0, %eq3A_7 : i32
    %convert_element_type3A_9 = arith.extui %eq3A_8 : i1 to i32
    %cond3A_10 = arith.constant 0 : i32
    %cond3A_11 = arith.cmpi ne, %convert_element_type3A_9, %cond3A_10 : i32
    scf.if %cond3A_11 {
      %mul3A_125 = arith.constant 128 : i32
      %mul3A_126 = arith.muli %add3A_6, %mul3A_125 : i32
      %dma_start3A_127 = tpu.memref_slice %arg4[%mul3A_126] : memref<327680xi32, #tpu.memory_space<hbm>> -> memref<128xi32, #tpu.memory_space<hbm>>
      %dma_start3A_128 = tpu.memref_slice %arg4[%mul3A_126] : memref<327680xi32, #tpu.memory_space<hbm>> -> memref<128xi32, #tpu.memory_space<hbm>>
      tpu.enqueue_dma source(%dma_start3A_128 : memref<128xi32, #tpu.memory_space<hbm>>) target(%arg7 : memref<128xi32, #tpu.memory_space<vmem>>) target_semaphore(%arg12 : memref<!tpu.dma_semaphore, #tpu.memory_space<semaphore_mem>>)
    } else {
    }
    %eq3A_12 = arith.constant 1 : i32
    %eq3A_13 = arith.cmpi eq, %arg0, %eq3A_12 : i32
    %convert_element_type3A_14 = arith.extui %eq3A_13 : i1 to i32
    %cond3A_15 = arith.constant 0 : i32
    %cond3A_16 = arith.cmpi ne, %convert_element_type3A_14, %cond3A_15 : i32
    scf.if %cond3A_16 {
      %mul3A_125 = arith.constant 128 : i32
      %mul3A_126 = arith.muli %add3A_6, %mul3A_125 : i32
      %dma_start3A_127 = tpu.memref_slice %arg5[%mul3A_126] : memref<327680xi32, #tpu.memory_space<hbm>> -> memref<128xi32, #tpu.memory_space<hbm>>
      %dma_start3A_128 = tpu.memref_slice %arg5[%mul3A_126] : memref<327680xi32, #tpu.memory_space<hbm>> -> memref<128xi32, #tpu.memory_space<hbm>>
      tpu.enqueue_dma source(%dma_start3A_128 : memref<128xi32, #tpu.memory_space<hbm>>) target(%arg7 : memref<128xi32, #tpu.memory_space<vmem>>) target_semaphore(%arg12 : memref<!tpu.dma_semaphore, #tpu.memory_space<semaphore_mem>>)
    } else {
    }
    %dma_wait3A = arith.constant 0 : i32
    %dma_wait3A_17 = tpu.memref_slice %arg4[%dma_wait3A] : memref<327680xi32, #tpu.memory_space<hbm>> -> memref<128xi32, #tpu.memory_space<hbm>>
    %dma_wait3A_18 = arith.constant 0 : i32
    %dma_wait3A_19 = tpu.memref_slice %arg4[%dma_wait3A_18] : memref<327680xi32, #tpu.memory_space<hbm>> -> memref<128xi32, #tpu.memory_space<hbm>>
    tpu.wait_dma2 semaphore(%arg12 : memref<!tpu.dma_semaphore, #tpu.memory_space<semaphore_mem>>) src(%dma_wait3A_19 : memref<128xi32, #tpu.memory_space<hbm>>) dst(%arg7 : memref<128xi32, #tpu.memory_space<vmem>>)
    %dma_start3A = arith.constant 0 : i32
    %dma_start3A_20 = arith.constant 0 : i32
    %dma_start3A_21 = tpu.memref_slice %arg11[%dma_start3A, %dma_start3A_20] : memref<10000x128xf32, #tpu.memory_space<vmem_shared>> -> memref<10000x128xf32, #tpu.memory_space<vmem_shared>>
    tpu.enqueue_indirect_dma source(%dma_start3A_21 : memref<10000x128xf32, #tpu.memory_space<vmem_shared>>) target(%arg9 : memref<128x128xf32, #tpu.memory_space<vmem>>) offsets(%arg7 : memref<128xi32, #tpu.memory_space<vmem>>) semaphore(%arg14 : memref<!tpu.dma_semaphore, #tpu.memory_space<semaphore_mem>>)
    %add3A_22 = arith.constant 16 : i32
    %add3A_23 = arith.addi %add3A_22, %arg1 : i32
    %eq3A_24 = arith.constant 0 : i32
    %eq3A_25 = arith.cmpi eq, %arg0, %eq3A_24 : i32
    %convert_element_type3A_26 = arith.extui %eq3A_25 : i1 to i32
    %cond3A_27 = arith.constant 0 : i32
    %cond3A_28 = arith.cmpi ne, %convert_element_type3A_26, %cond3A_27 : i32
    scf.if %cond3A_28 {
      %mul3A_125 = arith.constant 128 : i32
      %mul3A_126 = arith.muli %add3A_23, %mul3A_125 : i32
      %dma_start3A_127 = tpu.memref_slice %arg4[%mul3A_126] : memref<327680xi32, #tpu.memory_space<hbm>> -> memref<128xi32, #tpu.memory_space<hbm>>
      %dma_start3A_128 = tpu.memref_slice %arg4[%mul3A_126] : memref<327680xi32, #tpu.memory_space<hbm>> -> memref<128xi32, #tpu.memory_space<hbm>>
      tpu.enqueue_dma source(%dma_start3A_128 : memref<128xi32, #tpu.memory_space<hbm>>) target(%arg8 : memref<128xi32, #tpu.memory_space<vmem>>) target_semaphore(%arg13 : memref<!tpu.dma_semaphore, #tpu.memory_space<semaphore_mem>>)
    } else {
    }
    %eq3A_29 = arith.constant 1 : i32
    %eq3A_30 = arith.cmpi eq, %arg0, %eq3A_29 : i32
    %convert_element_type3A_31 = arith.extui %eq3A_30 : i1 to i32
    %cond3A_32 = arith.constant 0 : i32
    %cond3A_33 = arith.cmpi ne, %convert_element_type3A_31, %cond3A_32 : i32
    scf.if %cond3A_33 {
      %mul3A_125 = arith.constant 128 : i32
      %mul3A_126 = arith.muli %add3A_23, %mul3A_125 : i32
      %dma_start3A_127 = tpu.memref_slice %arg5[%mul3A_126] : memref<327680xi32, #tpu.memory_space<hbm>> -> memref<128xi32, #tpu.memory_space<hbm>>
      %dma_start3A_128 = tpu.memref_slice %arg5[%mul3A_126] : memref<327680xi32, #tpu.memory_space<hbm>> -> memref<128xi32, #tpu.memory_space<hbm>>
      tpu.enqueue_dma source(%dma_start3A_128 : memref<128xi32, #tpu.memory_space<hbm>>) target(%arg8 : memref<128xi32, #tpu.memory_space<vmem>>) target_semaphore(%arg13 : memref<!tpu.dma_semaphore, #tpu.memory_space<semaphore_mem>>)
    } else {
    }
    %add3A_34 = arith.constant 0 : i32
    %add3A_35 = arith.addi %add3A_34, %arg1 : i32
    %dma_wait3A_36 = arith.constant 0 : i32
    %dma_wait3A_37 = arith.constant 0 : i32
    %dma_wait3A_38 = tpu.memref_slice %arg11[%dma_wait3A_36, %dma_wait3A_37] : memref<10000x128xf32, #tpu.memory_space<vmem_shared>> -> memref<10000x128xf32, #tpu.memory_space<vmem_shared>>
    tpu.wait_indirect_dma semaphore(%arg14 : memref<!tpu.dma_semaphore, #tpu.memory_space<semaphore_mem>>) src(%dma_wait3A_38 : memref<10000x128xf32, #tpu.memory_space<vmem_shared>>) dst(%arg9 : memref<128x128xf32, #tpu.memory_space<vmem>>)
    %add3A_39 = arith.constant 32 : i32
    %add3A_40 = arith.addi %add3A_39, %arg1 : i32
    %eq3A_41 = arith.constant 0 : i32
    %eq3A_42 = arith.cmpi eq, %arg0, %eq3A_41 : i32
    %convert_element_type3A_43 = arith.extui %eq3A_42 : i1 to i32
    %cond3A_44 = arith.constant 0 : i32
    %cond3A_45 = arith.cmpi ne, %convert_element_type3A_43, %cond3A_44 : i32
    scf.if %cond3A_45 {
      %mul3A_125 = arith.constant 128 : i32
      %mul3A_126 = arith.muli %add3A_40, %mul3A_125 : i32
      %dma_start3A_127 = tpu.memref_slice %arg4[%mul3A_126] : memref<327680xi32, #tpu.memory_space<hbm>> -> memref<128xi32, #tpu.memory_space<hbm>>
      %dma_start3A_128 = tpu.memref_slice %arg4[%mul3A_126] : memref<327680xi32, #tpu.memory_space<hbm>> -> memref<128xi32, #tpu.memory_space<hbm>>
      tpu.enqueue_dma source(%dma_start3A_128 : memref<128xi32, #tpu.memory_space<hbm>>) target(%arg7 : memref<128xi32, #tpu.memory_space<vmem>>) target_semaphore(%arg12 : memref<!tpu.dma_semaphore, #tpu.memory_space<semaphore_mem>>)
    } else {
    }
    %eq3A_46 = arith.constant 1 : i32
    %eq3A_47 = arith.cmpi eq, %arg0, %eq3A_46 : i32
    %convert_element_type3A_48 = arith.extui %eq3A_47 : i1 to i32
    %cond3A_49 = arith.constant 0 : i32
    %cond3A_50 = arith.cmpi ne, %convert_element_type3A_48, %cond3A_49 : i32
    scf.if %cond3A_50 {
      %mul3A_125 = arith.constant 128 : i32
      %mul3A_126 = arith.muli %add3A_40, %mul3A_125 : i32
      %dma_start3A_127 = tpu.memref_slice %arg5[%mul3A_126] : memref<327680xi32, #tpu.memory_space<hbm>> -> memref<128xi32, #tpu.memory_space<hbm>>
      %dma_start3A_128 = tpu.memref_slice %arg5[%mul3A_126] : memref<327680xi32, #tpu.memory_space<hbm>> -> memref<128xi32, #tpu.memory_space<hbm>>
      tpu.enqueue_dma source(%dma_start3A_128 : memref<128xi32, #tpu.memory_space<hbm>>) target(%arg7 : memref<128xi32, #tpu.memory_space<vmem>>) target_semaphore(%arg12 : memref<!tpu.dma_semaphore, #tpu.memory_space<semaphore_mem>>)
    } else {
    }
    %dma_wait3A_51 = arith.constant 0 : i32
    %dma_wait3A_52 = tpu.memref_slice %arg4[%dma_wait3A_51] : memref<327680xi32, #tpu.memory_space<hbm>> -> memref<128xi32, #tpu.memory_space<hbm>>
    %dma_wait3A_53 = arith.constant 0 : i32
    %dma_wait3A_54 = tpu.memref_slice %arg4[%dma_wait3A_53] : memref<327680xi32, #tpu.memory_space<hbm>> -> memref<128xi32, #tpu.memory_space<hbm>>
    tpu.wait_dma2 semaphore(%arg13 : memref<!tpu.dma_semaphore, #tpu.memory_space<semaphore_mem>>) src(%dma_wait3A_54 : memref<128xi32, #tpu.memory_space<hbm>>) dst(%arg8 : memref<128xi32, #tpu.memory_space<vmem>>)
    %dma_start3A_55 = arith.constant 0 : i32
    %dma_start3A_56 = arith.constant 0 : i32
    %dma_start3A_57 = tpu.memref_slice %arg11[%dma_start3A_55, %dma_start3A_56] : memref<10000x128xf32, #tpu.memory_space<vmem_shared>> -> memref<10000x128xf32, #tpu.memory_space<vmem_shared>>
    tpu.enqueue_indirect_dma source(%dma_start3A_57 : memref<10000x128xf32, #tpu.memory_space<vmem_shared>>) target(%arg10 : memref<128x128xf32, #tpu.memory_space<vmem>>) offsets(%arg8 : memref<128xi32, #tpu.memory_space<vmem>>) semaphore(%arg15 : memref<!tpu.dma_semaphore, #tpu.memory_space<semaphore_mem>>)
    %mul3A = arith.constant 128 : i32
    %mul3A_58 = arith.muli %add3A_35, %mul3A : i32
    %dma_start3A_59 = arith.constant 0 : i32
    %dma_start3A_60 = tpu.memref_slice %arg6[%arg0, %mul3A_58, %dma_start3A_59] : memref<2x323584x128xf32, #tpu.memory_space<hbm>> -> memref<1x128x128xf32, #tpu.memory_space<hbm>>
    %dma_start3A_61 = tpu.memref_squeeze %dma_start3A_60 : memref<1x128x128xf32, #tpu.memory_space<hbm>> -> memref<128x128xf32, #tpu.memory_space<hbm>>
    %dma_start3A_62 = arith.constant 0 : i32
    %dma_start3A_63 = tpu.memref_slice %arg6[%arg0, %mul3A_58, %dma_start3A_62] : memref<2x323584x128xf32, #tpu.memory_space<hbm>> -> memref<1x128x128xf32, #tpu.memory_space<hbm>>
    %dma_start3A_64 = tpu.memref_squeeze %dma_start3A_63 : memref<1x128x128xf32, #tpu.memory_space<hbm>> -> memref<128x128xf32, #tpu.memory_space<hbm>>
    tpu.enqueue_dma source(%arg9 : memref<128x128xf32, #tpu.memory_space<vmem>>) target(%dma_start3A_64 : memref<128x128xf32, #tpu.memory_space<hbm>>) target_semaphore(%arg16 : memref<!tpu.dma_semaphore, #tpu.memory_space<semaphore_mem>>)
    %add3A_65 = arith.constant 16 : i32
    %add3A_66 = arith.addi %add3A_65, %arg1 : i32
    %dma_wait3A_67 = arith.constant 0 : i32
    %dma_wait3A_68 = arith.constant 0 : i32
    %dma_wait3A_69 = tpu.memref_slice %arg11[%dma_wait3A_67, %dma_wait3A_68] : memref<10000x128xf32, #tpu.memory_space<vmem_shared>> -> memref<10000x128xf32, #tpu.memory_space<vmem_shared>>
    tpu.wait_indirect_dma semaphore(%arg15 : memref<!tpu.dma_semaphore, #tpu.memory_space<semaphore_mem>>) src(%dma_wait3A_69 : memref<10000x128xf32, #tpu.memory_space<vmem_shared>>) dst(%arg10 : memref<128x128xf32, #tpu.memory_space<vmem>>)
    %add3A_70 = arith.constant 48 : i32
    %add3A_71 = arith.addi %add3A_70, %arg1 : i32
    %eq3A_72 = arith.constant 0 : i32
    %eq3A_73 = arith.cmpi eq, %arg0, %eq3A_72 : i32
    %convert_element_type3A_74 = arith.extui %eq3A_73 : i1 to i32
    %cond3A_75 = arith.constant 0 : i32
    %cond3A_76 = arith.cmpi ne, %convert_element_type3A_74, %cond3A_75 : i32
    scf.if %cond3A_76 {
      %mul3A_125 = arith.constant 128 : i32
      %mul3A_126 = arith.muli %add3A_71, %mul3A_125 : i32
      %dma_start3A_127 = tpu.memref_slice %arg4[%mul3A_126] : memref<327680xi32, #tpu.memory_space<hbm>> -> memref<128xi32, #tpu.memory_space<hbm>>
      %dma_start3A_128 = tpu.memref_slice %arg4[%mul3A_126] : memref<327680xi32, #tpu.memory_space<hbm>> -> memref<128xi32, #tpu.memory_space<hbm>>
      tpu.enqueue_dma source(%dma_start3A_128 : memref<128xi32, #tpu.memory_space<hbm>>) target(%arg8 : memref<128xi32, #tpu.memory_space<vmem>>) target_semaphore(%arg13 : memref<!tpu.dma_semaphore, #tpu.memory_space<semaphore_mem>>)
    } else {
    }
    %eq3A_77 = arith.constant 1 : i32
    %eq3A_78 = arith.cmpi eq, %arg0, %eq3A_77 : i32
    %convert_element_type3A_79 = arith.extui %eq3A_78 : i1 to i32
    %cond3A_80 = arith.constant 0 : i32
    %cond3A_81 = arith.cmpi ne, %convert_element_type3A_79, %cond3A_80 : i32
    scf.if %cond3A_81 {
      %mul3A_125 = arith.constant 128 : i32
      %mul3A_126 = arith.muli %add3A_71, %mul3A_125 : i32
      %dma_start3A_127 = tpu.memref_slice %arg5[%mul3A_126] : memref<327680xi32, #tpu.memory_space<hbm>> -> memref<128xi32, #tpu.memory_space<hbm>>
      %dma_start3A_128 = tpu.memref_slice %arg5[%mul3A_126] : memref<327680xi32, #tpu.memory_space<hbm>> -> memref<128xi32, #tpu.memory_space<hbm>>
      tpu.enqueue_dma source(%dma_start3A_128 : memref<128xi32, #tpu.memory_space<hbm>>) target(%arg8 : memref<128xi32, #tpu.memory_space<vmem>>) target_semaphore(%arg13 : memref<!tpu.dma_semaphore, #tpu.memory_space<semaphore_mem>>)
    } else {
    }
    %dma_wait3A_82 = arith.constant 0 : i32
    %dma_wait3A_83 = tpu.memref_slice %arg4[%dma_wait3A_82] : memref<327680xi32, #tpu.memory_space<hbm>> -> memref<128xi32, #tpu.memory_space<hbm>>
    %dma_wait3A_84 = arith.constant 0 : i32
    %dma_wait3A_85 = tpu.memref_slice %arg4[%dma_wait3A_84] : memref<327680xi32, #tpu.memory_space<hbm>> -> memref<128xi32, #tpu.memory_space<hbm>>
    tpu.wait_dma2 semaphore(%arg12 : memref<!tpu.dma_semaphore, #tpu.memory_space<semaphore_mem>>) src(%dma_wait3A_85 : memref<128xi32, #tpu.memory_space<hbm>>) dst(%arg7 : memref<128xi32, #tpu.memory_space<vmem>>)
    %dma_wait3A_86 = arith.constant 0 : i32
    %dma_wait3A_87 = arith.constant 0 : i32
    %dma_wait3A_88 = tpu.memref_slice %arg6[%arg0, %dma_wait3A_86, %dma_wait3A_87] : memref<2x323584x128xf32, #tpu.memory_space<hbm>> -> memref<1x128x128xf32, #tpu.memory_space<hbm>>
    %dma_wait3A_89 = tpu.memref_squeeze %dma_wait3A_88 : memref<1x128x128xf32, #tpu.memory_space<hbm>> -> memref<128x128xf32, #tpu.memory_space<hbm>>
    %dma_wait3A_90 = arith.constant 0 : i32
    %dma_wait3A_91 = arith.constant 0 : i32
    %dma_wait3A_92 = tpu.memref_slice %arg6[%arg0, %dma_wait3A_90, %dma_wait3A_91] : memref<2x323584x128xf32, #tpu.memory_space<hbm>> -> memref<1x128x128xf32, #tpu.memory_space<hbm>>
    %dma_wait3A_93 = tpu.memref_squeeze %dma_wait3A_92 : memref<1x128x128xf32, #tpu.memory_space<hbm>> -> memref<128x128xf32, #tpu.memory_space<hbm>>
    tpu.wait_dma2 semaphore(%arg16 : memref<!tpu.dma_semaphore, #tpu.memory_space<semaphore_mem>>) src(%arg9 : memref<128x128xf32, #tpu.memory_space<vmem>>) dst(%dma_wait3A_93 : memref<128x128xf32, #tpu.memory_space<hbm>>)
    %dma_start3A_94 = arith.constant 0 : i32
    %dma_start3A_95 = arith.constant 0 : i32
    %dma_start3A_96 = tpu.memref_slice %arg11[%dma_start3A_94, %dma_start3A_95] : memref<10000x128xf32, #tpu.memory_space<vmem_shared>> -> memref<10000x128xf32, #tpu.memory_space<vmem_shared>>
    tpu.enqueue_indirect_dma source(%dma_start3A_96 : memref<10000x128xf32, #tpu.memory_space<vmem_shared>>) target(%arg9 : memref<128x128xf32, #tpu.memory_space<vmem>>) offsets(%arg7 : memref<128xi32, #tpu.memory_space<vmem>>) semaphore(%arg14 : memref<!tpu.dma_semaphore, #tpu.memory_space<semaphore_mem>>)
    %mul3A_97 = arith.constant 128 : i32
    %mul3A_98 = arith.muli %add3A_66, %mul3A_97 : i32
    %dma_start3A_99 = arith.constant 0 : i32
    %dma_start3A_100 = tpu.memref_slice %arg6[%arg0, %mul3A_98, %dma_start3A_99] : memref<2x323584x128xf32, #tpu.memory_space<hbm>> -> memref<1x128x128xf32, #tpu.memory_space<hbm>>
    %dma_start3A_101 = tpu.memref_squeeze %dma_start3A_100 : memref<1x128x128xf32, #tpu.memory_space<hbm>> -> memref<128x128xf32, #tpu.memory_space<hbm>>
    %dma_start3A_102 = arith.constant 0 : i32
    %dma_start3A_103 = tpu.memref_slice %arg6[%arg0, %mul3A_98, %dma_start3A_102] : memref<2x323584x128xf32, #tpu.memory_space<hbm>> -> memref<1x128x128xf32, #tpu.memory_space<hbm>>
    %dma_start3A_104 = tpu.memref_squeeze %dma_start3A_103 : memref<1x128x128xf32, #tpu.memory_space<hbm>> -> memref<128x128xf32, #tpu.memory_space<hbm>>
    tpu.enqueue_dma source(%arg10 : memref<128x128xf32, #tpu.memory_space<vmem>>) target(%dma_start3A_104 : memref<128x128xf32, #tpu.memory_space<hbm>>) target_semaphore(%arg17 : memref<!tpu.dma_semaphore, #tpu.memory_space<semaphore_mem>>)
    %scan3A = arith.constant 0 : i32
    %scan3A_105 = arith.constant 1 : i32
    %scan3A_106 = arith.constant 78 : i32
    %scan3A_107 = arith.addi %scan3A_105, %scan3A_106 : i32
    %scan3A_108 = arith.constant 1 : i32
    scf.for %scan3A_125 = %scan3A_105 to %scan3A_107 step %scan3A_108  : i32 {
      %mul3A_126 = arith.constant 2 : i32
      %mul3A_127 = arith.muli %mul3A_126, %scan3A_125 : i32
      %mul3A_128 = arith.constant 16 : i32
      %mul3A_129 = arith.muli %mul3A_127, %mul3A_128 : i32
      %add3A_130 = arith.addi %mul3A_129, %arg1 : i32
      %dma_wait3A_131 = arith.constant 0 : i32
      %dma_wait3A_132 = arith.constant 0 : i32
      %dma_wait3A_133 = tpu.memref_slice %arg11[%dma_wait3A_131, %dma_wait3A_132] : memref<10000x128xf32, #tpu.memory_space<vmem_shared>> -> memref<10000x128xf32, #tpu.memory_space<vmem_shared>>
      tpu.wait_indirect_dma semaphore(%arg14 : memref<!tpu.dma_semaphore, #tpu.memory_space<semaphore_mem>>) src(%dma_wait3A_133 : memref<10000x128xf32, #tpu.memory_space<vmem_shared>>) dst(%arg9 : memref<128x128xf32, #tpu.memory_space<vmem>>)
      %add3A_134 = arith.constant 2 : i32
      %add3A_135 = arith.addi %mul3A_127, %add3A_134 : i32
      %mul3A_136 = arith.constant 16 : i32
      %mul3A_137 = arith.muli %add3A_135, %mul3A_136 : i32
      %add3A_138 = arith.addi %mul3A_137, %arg1 : i32
      %eq3A_139 = arith.constant 0 : i32
      %eq3A_140 = arith.cmpi eq, %arg0, %eq3A_139 : i32
      %convert_element_type3A_141 = arith.extui %eq3A_140 : i1 to i32
      %cond3A_142 = arith.constant 0 : i32
      %cond3A_143 = arith.cmpi ne, %convert_element_type3A_141, %cond3A_142 : i32
      scf.if %cond3A_143 {
        %mul3A_220 = arith.constant 128 : i32
        %mul3A_221 = arith.muli %add3A_138, %mul3A_220 : i32
        %dma_start3A_222 = tpu.memref_slice %arg4[%mul3A_221] : memref<327680xi32, #tpu.memory_space<hbm>> -> memref<128xi32, #tpu.memory_space<hbm>>
        %dma_start3A_223 = tpu.memref_slice %arg4[%mul3A_221] : memref<327680xi32, #tpu.memory_space<hbm>> -> memref<128xi32, #tpu.memory_space<hbm>>
        tpu.enqueue_dma source(%dma_start3A_223 : memref<128xi32, #tpu.memory_space<hbm>>) target(%arg7 : memref<128xi32, #tpu.memory_space<vmem>>) target_semaphore(%arg12 : memref<!tpu.dma_semaphore, #tpu.memory_space<semaphore_mem>>)
      } else {
      }
      %eq3A_144 = arith.constant 1 : i32
      %eq3A_145 = arith.cmpi eq, %arg0, %eq3A_144 : i32
      %convert_element_type3A_146 = arith.extui %eq3A_145 : i1 to i32
      %cond3A_147 = arith.constant 0 : i32
      %cond3A_148 = arith.cmpi ne, %convert_element_type3A_146, %cond3A_147 : i32
      scf.if %cond3A_148 {
        %mul3A_220 = arith.constant 128 : i32
        %mul3A_221 = arith.muli %add3A_138, %mul3A_220 : i32
        %dma_start3A_222 = tpu.memref_slice %arg5[%mul3A_221] : memref<327680xi32, #tpu.memory_space<hbm>> -> memref<128xi32, #tpu.memory_space<hbm>>
        %dma_start3A_223 = tpu.memref_slice %arg5[%mul3A_221] : memref<327680xi32, #tpu.memory_space<hbm>> -> memref<128xi32, #tpu.memory_space<hbm>>
        tpu.enqueue_dma source(%dma_start3A_223 : memref<128xi32, #tpu.memory_space<hbm>>) target(%arg7 : memref<128xi32, #tpu.memory_space<vmem>>) target_semaphore(%arg12 : memref<!tpu.dma_semaphore, #tpu.memory_space<semaphore_mem>>)
      } else {
      }
      %dma_wait3A_149 = arith.constant 0 : i32
      %dma_wait3A_150 = tpu.memref_slice %arg4[%dma_wait3A_149] : memref<327680xi32, #tpu.memory_space<hbm>> -> memref<128xi32, #tpu.memory_space<hbm>>
      %dma_wait3A_151 = arith.constant 0 : i32
      %dma_wait3A_152 = tpu.memref_slice %arg4[%dma_wait3A_151] : memref<327680xi32, #tpu.memory_space<hbm>> -> memref<128xi32, #tpu.memory_space<hbm>>
      tpu.wait_dma2 semaphore(%arg13 : memref<!tpu.dma_semaphore, #tpu.memory_space<semaphore_mem>>) src(%dma_wait3A_152 : memref<128xi32, #tpu.memory_space<hbm>>) dst(%arg8 : memref<128xi32, #tpu.memory_space<vmem>>)
      %dma_wait3A_153 = arith.constant 0 : i32
      %dma_wait3A_154 = arith.constant 0 : i32
      %dma_wait3A_155 = tpu.memref_slice %arg6[%arg0, %dma_wait3A_153, %dma_wait3A_154] : memref<2x323584x128xf32, #tpu.memory_space<hbm>> -> memref<1x128x128xf32, #tpu.memory_space<hbm>>
      %dma_wait3A_156 = tpu.memref_squeeze %dma_wait3A_155 : memref<1x128x128xf32, #tpu.memory_space<hbm>> -> memref<128x128xf32, #tpu.memory_space<hbm>>
      %dma_wait3A_157 = arith.constant 0 : i32
      %dma_wait3A_158 = arith.constant 0 : i32
      %dma_wait3A_159 = tpu.memref_slice %arg6[%arg0, %dma_wait3A_157, %dma_wait3A_158] : memref<2x323584x128xf32, #tpu.memory_space<hbm>> -> memref<1x128x128xf32, #tpu.memory_space<hbm>>
      %dma_wait3A_160 = tpu.memref_squeeze %dma_wait3A_159 : memref<1x128x128xf32, #tpu.memory_space<hbm>> -> memref<128x128xf32, #tpu.memory_space<hbm>>
      tpu.wait_dma2 semaphore(%arg17 : memref<!tpu.dma_semaphore, #tpu.memory_space<semaphore_mem>>) src(%arg10 : memref<128x128xf32, #tpu.memory_space<vmem>>) dst(%dma_wait3A_160 : memref<128x128xf32, #tpu.memory_space<hbm>>)
      %dma_start3A_161 = arith.constant 0 : i32
      %dma_start3A_162 = arith.constant 0 : i32
      %dma_start3A_163 = tpu.memref_slice %arg11[%dma_start3A_161, %dma_start3A_162] : memref<10000x128xf32, #tpu.memory_space<vmem_shared>> -> memref<10000x128xf32, #tpu.memory_space<vmem_shared>>
      tpu.enqueue_indirect_dma source(%dma_start3A_163 : memref<10000x128xf32, #tpu.memory_space<vmem_shared>>) target(%arg10 : memref<128x128xf32, #tpu.memory_space<vmem>>) offsets(%arg8 : memref<128xi32, #tpu.memory_space<vmem>>) semaphore(%arg15 : memref<!tpu.dma_semaphore, #tpu.memory_space<semaphore_mem>>)
      %mul3A_164 = arith.constant 128 : i32
      %mul3A_165 = arith.muli %add3A_130, %mul3A_164 : i32
      %dma_start3A_166 = arith.constant 0 : i32
      %dma_start3A_167 = tpu.memref_slice %arg6[%arg0, %mul3A_165, %dma_start3A_166] : memref<2x323584x128xf32, #tpu.memory_space<hbm>> -> memref<1x128x128xf32, #tpu.memory_space<hbm>>
      %dma_start3A_168 = tpu.memref_squeeze %dma_start3A_167 : memref<1x128x128xf32, #tpu.memory_space<hbm>> -> memref<128x128xf32, #tpu.memory_space<hbm>>
      %dma_start3A_169 = arith.constant 0 : i32
      %dma_start3A_170 = tpu.memref_slice %arg6[%arg0, %mul3A_165, %dma_start3A_169] : memref<2x323584x128xf32, #tpu.memory_space<hbm>> -> memref<1x128x128xf32, #tpu.memory_space<hbm>>
      %dma_start3A_171 = tpu.memref_squeeze %dma_start3A_170 : memref<1x128x128xf32, #tpu.memory_space<hbm>> -> memref<128x128xf32, #tpu.memory_space<hbm>>
      tpu.enqueue_dma source(%arg9 : memref<128x128xf32, #tpu.memory_space<vmem>>) target(%dma_start3A_171 : memref<128x128xf32, #tpu.memory_space<hbm>>) target_semaphore(%arg16 : memref<!tpu.dma_semaphore, #tpu.memory_space<semaphore_mem>>)
      %mul3A_172 = arith.constant 2 : i32
      %mul3A_173 = arith.muli %mul3A_172, %scan3A_125 : i32
      %add3A_174 = arith.constant 1 : i32
      %add3A_175 = arith.addi %mul3A_173, %add3A_174 : i32
      %mul3A_176 = arith.constant 16 : i32
      %mul3A_177 = arith.muli %add3A_175, %mul3A_176 : i32
      %add3A_178 = arith.addi %mul3A_177, %arg1 : i32
      %dma_wait3A_179 = arith.constant 0 : i32
      %dma_wait3A_180 = arith.constant 0 : i32
      %dma_wait3A_181 = tpu.memref_slice %arg11[%dma_wait3A_179, %dma_wait3A_180] : memref<10000x128xf32, #tpu.memory_space<vmem_shared>> -> memref<10000x128xf32, #tpu.memory_space<vmem_shared>>
      tpu.wait_indirect_dma semaphore(%arg15 : memref<!tpu.dma_semaphore, #tpu.memory_space<semaphore_mem>>) src(%dma_wait3A_181 : memref<10000x128xf32, #tpu.memory_space<vmem_shared>>) dst(%arg10 : memref<128x128xf32, #tpu.memory_space<vmem>>)
      %add3A_182 = arith.constant 2 : i32
      %add3A_183 = arith.addi %add3A_175, %add3A_182 : i32
      %mul3A_184 = arith.constant 16 : i32
      %mul3A_185 = arith.muli %add3A_183, %mul3A_184 : i32
      %add3A_186 = arith.addi %mul3A_185, %arg1 : i32
      %eq3A_187 = arith.constant 0 : i32
      %eq3A_188 = arith.cmpi eq, %arg0, %eq3A_187 : i32
      %convert_element_type3A_189 = arith.extui %eq3A_188 : i1 to i32
      %cond3A_190 = arith.constant 0 : i32
      %cond3A_191 = arith.cmpi ne, %convert_element_type3A_189, %cond3A_190 : i32
      scf.if %cond3A_191 {
        %mul3A_220 = arith.constant 128 : i32
        %mul3A_221 = arith.muli %add3A_186, %mul3A_220 : i32
        %dma_start3A_222 = tpu.memref_slice %arg4[%mul3A_221] : memref<327680xi32, #tpu.memory_space<hbm>> -> memref<128xi32, #tpu.memory_space<hbm>>
        %dma_start3A_223 = tpu.memref_slice %arg4[%mul3A_221] : memref<327680xi32, #tpu.memory_space<hbm>> -> memref<128xi32, #tpu.memory_space<hbm>>
        tpu.enqueue_dma source(%dma_start3A_223 : memref<128xi32, #tpu.memory_space<hbm>>) target(%arg8 : memref<128xi32, #tpu.memory_space<vmem>>) target_semaphore(%arg13 : memref<!tpu.dma_semaphore, #tpu.memory_space<semaphore_mem>>)
      } else {
      }
      %eq3A_192 = arith.constant 1 : i32
      %eq3A_193 = arith.cmpi eq, %arg0, %eq3A_192 : i32
      %convert_element_type3A_194 = arith.extui %eq3A_193 : i1 to i32
      %cond3A_195 = arith.constant 0 : i32
      %cond3A_196 = arith.cmpi ne, %convert_element_type3A_194, %cond3A_195 : i32
      scf.if %cond3A_196 {
        %mul3A_220 = arith.constant 128 : i32
        %mul3A_221 = arith.muli %add3A_186, %mul3A_220 : i32
        %dma_start3A_222 = tpu.memref_slice %arg5[%mul3A_221] : memref<327680xi32, #tpu.memory_space<hbm>> -> memref<128xi32, #tpu.memory_space<hbm>>
        %dma_start3A_223 = tpu.memref_slice %arg5[%mul3A_221] : memref<327680xi32, #tpu.memory_space<hbm>> -> memref<128xi32, #tpu.memory_space<hbm>>
        tpu.enqueue_dma source(%dma_start3A_223 : memref<128xi32, #tpu.memory_space<hbm>>) target(%arg8 : memref<128xi32, #tpu.memory_space<vmem>>) target_semaphore(%arg13 : memref<!tpu.dma_semaphore, #tpu.memory_space<semaphore_mem>>)
      } else {
      }
      %dma_wait3A_197 = arith.constant 0 : i32
      %dma_wait3A_198 = tpu.memref_slice %arg4[%dma_wait3A_197] : memref<327680xi32, #tpu.memory_space<hbm>> -> memref<128xi32, #tpu.memory_space<hbm>>
      %dma_wait3A_199 = arith.constant 0 : i32
      %dma_wait3A_200 = tpu.memref_slice %arg4[%dma_wait3A_199] : memref<327680xi32, #tpu.memory_space<hbm>> -> memref<128xi32, #tpu.memory_space<hbm>>
      tpu.wait_dma2 semaphore(%arg12 : memref<!tpu.dma_semaphore, #tpu.memory_space<semaphore_mem>>) src(%dma_wait3A_200 : memref<128xi32, #tpu.memory_space<hbm>>) dst(%arg7 : memref<128xi32, #tpu.memory_space<vmem>>)
      %dma_wait3A_201 = arith.constant 0 : i32
      %dma_wait3A_202 = arith.constant 0 : i32
      %dma_wait3A_203 = tpu.memref_slice %arg6[%arg0, %dma_wait3A_201, %dma_wait3A_202] : memref<2x323584x128xf32, #tpu.memory_space<hbm>> -> memref<1x128x128xf32, #tpu.memory_space<hbm>>
      %dma_wait3A_204 = tpu.memref_squeeze %dma_wait3A_203 : memref<1x128x128xf32, #tpu.memory_space<hbm>> -> memref<128x128xf32, #tpu.memory_space<hbm>>
      %dma_wait3A_205 = arith.constant 0 : i32
      %dma_wait3A_206 = arith.constant 0 : i32
      %dma_wait3A_207 = tpu.memref_slice %arg6[%arg0, %dma_wait3A_205, %dma_wait3A_206] : memref<2x323584x128xf32, #tpu.memory_space<hbm>> -> memref<1x128x128xf32, #tpu.memory_space<hbm>>
      %dma_wait3A_208 = tpu.memref_squeeze %dma_wait3A_207 : memref<1x128x128xf32, #tpu.memory_space<hbm>> -> memref<128x128xf32, #tpu.memory_space<hbm>>
      tpu.wait_dma2 semaphore(%arg16 : memref<!tpu.dma_semaphore, #tpu.memory_space<semaphore_mem>>) src(%arg9 : memref<128x128xf32, #tpu.memory_space<vmem>>) dst(%dma_wait3A_208 : memref<128x128xf32, #tpu.memory_space<hbm>>)
      %dma_start3A_209 = arith.constant 0 : i32
      %dma_start3A_210 = arith.constant 0 : i32
      %dma_start3A_211 = tpu.memref_slice %arg11[%dma_start3A_209, %dma_start3A_210] : memref<10000x128xf32, #tpu.memory_space<vmem_shared>> -> memref<10000x128xf32, #tpu.memory_space<vmem_shared>>
      tpu.enqueue_indirect_dma source(%dma_start3A_211 : memref<10000x128xf32, #tpu.memory_space<vmem_shared>>) target(%arg9 : memref<128x128xf32, #tpu.memory_space<vmem>>) offsets(%arg7 : memref<128xi32, #tpu.memory_space<vmem>>) semaphore(%arg14 : memref<!tpu.dma_semaphore, #tpu.memory_space<semaphore_mem>>)
      %mul3A_212 = arith.constant 128 : i32
      %mul3A_213 = arith.muli %add3A_178, %mul3A_212 : i32
      %dma_start3A_214 = arith.constant 0 : i32
      %dma_start3A_215 = tpu.memref_slice %arg6[%arg0, %mul3A_213, %dma_start3A_214] : memref<2x323584x128xf32, #tpu.memory_space<hbm>> -> memref<1x128x128xf32, #tpu.memory_space<hbm>>
      %dma_start3A_216 = tpu.memref_squeeze %dma_start3A_215 : memref<1x128x128xf32, #tpu.memory_space<hbm>> -> memref<128x128xf32, #tpu.memory_space<hbm>>
      %dma_start3A_217 = arith.constant 0 : i32
      %dma_start3A_218 = tpu.memref_slice %arg6[%arg0, %mul3A_213, %dma_start3A_217] : memref<2x323584x128xf32, #tpu.memory_space<hbm>> -> memref<1x128x128xf32, #tpu.memory_space<hbm>>
      %dma_start3A_219 = tpu.memref_squeeze %dma_start3A_218 : memref<1x128x128xf32, #tpu.memory_space<hbm>> -> memref<128x128xf32, #tpu.memory_space<hbm>>
      tpu.enqueue_dma source(%arg10 : memref<128x128xf32, #tpu.memory_space<vmem>>) target(%dma_start3A_219 : memref<128x128xf32, #tpu.memory_space<hbm>>) target_semaphore(%arg17 : memref<!tpu.dma_semaphore, #tpu.memory_space<semaphore_mem>>)
    }
    %scan3A_109 = arith.constant 78 : i32
    %dma_wait3A_110 = arith.constant 0 : i32
    %dma_wait3A_111 = arith.constant 0 : i32
    %dma_wait3A_112 = tpu.memref_slice %arg11[%dma_wait3A_110, %dma_wait3A_111] : memref<10000x128xf32, #tpu.memory_space<vmem_shared>> -> memref<10000x128xf32, #tpu.memory_space<vmem_shared>>
    tpu.wait_indirect_dma semaphore(%arg14 : memref<!tpu.dma_semaphore, #tpu.memory_space<semaphore_mem>>) src(%dma_wait3A_112 : memref<10000x128xf32, #tpu.memory_space<vmem_shared>>) dst(%arg9 : memref<128x128xf32, #tpu.memory_space<vmem>>)
    %dma_wait3A_113 = arith.constant 0 : i32
    %dma_wait3A_114 = arith.constant 0 : i32
    %dma_wait3A_115 = tpu.memref_slice %arg6[%arg0, %dma_wait3A_113, %dma_wait3A_114] : memref<2x323584x128xf32, #tpu.memory_space<hbm>> -> memref<1x128x128xf32, #tpu.memory_space<hbm>>
    %dma_wait3A_116 = tpu.memref_squeeze %dma_wait3A_115 : memref<1x128x128xf32, #tpu.memory_space<hbm>> -> memref<128x128xf32, #tpu.memory_space<hbm>>
    %dma_wait3A_117 = arith.constant 0 : i32
    %dma_wait3A_118 = arith.constant 0 : i32
    %dma_wait3A_119 = tpu.memref_slice %arg6[%arg0, %dma_wait3A_117, %dma_wait3A_118] : memref<2x323584x128xf32, #tpu.memory_space<hbm>> -> memref<1x128x128xf32, #tpu.memory_space<hbm>>
    %dma_wait3A_120 = tpu.memref_squeeze %dma_wait3A_119 : memref<1x128x128xf32, #tpu.memory_space<hbm>> -> memref<128x128xf32, #tpu.memory_space<hbm>>
    tpu.wait_dma2 semaphore(%arg17 : memref<!tpu.dma_semaphore, #tpu.memory_space<semaphore_mem>>) src(%arg10 : memref<128x128xf32, #tpu.memory_space<vmem>>) dst(%dma_wait3A_120 : memref<128x128xf32, #tpu.memory_space<hbm>>)
    %dma_wait3A_121 = arith.constant 0 : i32
    %dma_wait3A_122 = tpu.memref_slice %arg4[%dma_wait3A_121] : memref<327680xi32, #tpu.memory_space<hbm>> -> memref<128xi32, #tpu.memory_space<hbm>>
    %dma_wait3A_123 = arith.constant 0 : i32
    %dma_wait3A_124 = tpu.memref_slice %arg4[%dma_wait3A_123] : memref<327680xi32, #tpu.memory_space<hbm>> -> memref<128xi32, #tpu.memory_space<hbm>>
    tpu.wait_dma2 semaphore(%arg13 : memref<!tpu.dma_semaphore, #tpu.memory_space<semaphore_mem>>) src(%dma_wait3A_124 : memref<128xi32, #tpu.memory_space<hbm>>) dst(%arg8 : memref<128xi32, #tpu.memory_space<vmem>>)
    return
  }
}

module attributes {stable_mosaic.version = 14 : i64} {
  func.func @_edge_body(%arg0: i32, %arg1: memref<2000x128xf32, #tpu.memory_space<vmem>>, %arg2: memref<1x2000x128xf32, #tpu.memory_space<vmem>>, %arg3: memref<1x2000x128xf32, #tpu.memory_space<vmem>>, %arg4: memref<128x128xf32, #tpu.memory_space<vmem>>, %arg5: memref<1x128xf32, #tpu.memory_space<vmem>>, %arg6: memref<128x128xf32, #tpu.memory_space<vmem>>, %arg7: memref<1x128xf32, #tpu.memory_space<vmem>>, %arg8: memref<1x128xf32, #tpu.memory_space<vmem>>, %arg9: memref<1x128xf32, #tpu.memory_space<vmem>>, %arg10: memref<2000x128xf32, #tpu.memory_space<vmem>>, %arg11: memref<2000x128xf32, #tpu.memory_space<vmem>>) attributes {dimension_semantics = [#tpu.dimension_semantics<arbitrary>], iteration_bounds = array<i64: 160>, scalar_prefetch = 0 : i64, scratch_operands = 0 : i64, tpu.core_type = #tpu.core_type<tc>, window_params = [{transform_indices = @transform_0, window_bounds = array<i64: 2000, 128>}, {transform_indices = @transform_1, window_bounds = array<i64: 1, 2000, 128>}, {transform_indices = @transform_2, window_bounds = array<i64: 1, 2000, 128>}, {pipeline_mode = #tpu.pipeline_mode<synchronous>, transform_indices = @transform_3, window_bounds = array<i64: 128, 128>}, {pipeline_mode = #tpu.pipeline_mode<synchronous>, transform_indices = @transform_4, window_bounds = array<i64: 1, 128>}, {pipeline_mode = #tpu.pipeline_mode<synchronous>, transform_indices = @transform_5, window_bounds = array<i64: 128, 128>}, {pipeline_mode = #tpu.pipeline_mode<synchronous>, transform_indices = @transform_6, window_bounds = array<i64: 1, 128>}, {pipeline_mode = #tpu.pipeline_mode<synchronous>, transform_indices = @transform_7, window_bounds = array<i64: 1, 128>}, {pipeline_mode = #tpu.pipeline_mode<synchronous>, transform_indices = @transform_8, window_bounds = array<i64: 1, 128>}, {transform_indices = @transform_9, window_bounds = array<i64: 2000, 128>}, {transform_indices = @transform_10, window_bounds = array<i64: 2000, 128>}]} {
    %get3A = arith.constant 0 : index
    %get3A_0 = arith.constant 0 : index
    %get3A_1 = vector.load %arg1[%get3A, %get3A_0] : memref<2000x128xf32, #tpu.memory_space<vmem>>, vector<2000x128xf32>
    %get3A_2 = arith.constant 0 : index
    %get3A_3 = arith.constant 0 : index
    %get3A_4 = arith.constant 0 : index
    %get3A_5 = vector.load %arg2[%get3A_2, %get3A_3, %get3A_4] : memref<1x2000x128xf32, #tpu.memory_space<vmem>>, vector<1x2000x128xf32>
    %get3A_6 = vector.shape_cast %get3A_5 : vector<1x2000x128xf32> to vector<2000x128xf32>
    %get3A_7 = arith.constant 0 : index
    %get3A_8 = arith.constant 0 : index
    %get3A_9 = arith.constant 0 : index
    %get3A_10 = vector.load %arg3[%get3A_7, %get3A_8, %get3A_9] : memref<1x2000x128xf32, #tpu.memory_space<vmem>>, vector<1x2000x128xf32>
    %get3A_11 = vector.shape_cast %get3A_10 : vector<1x2000x128xf32> to vector<2000x128xf32>
    %add3A = arith.addf %get3A_6, %get3A_11 : vector<2000x128xf32>
    %get3A_12 = arith.constant 0 : index
    %get3A_13 = arith.constant 0 : index
    %get3A_14 = vector.load %arg5[%get3A_12, %get3A_13] : memref<1x128xf32, #tpu.memory_space<vmem>>, vector<1x128xf32>
    %add3A_15 = vector.broadcast %get3A_14 : vector<1x128xf32> to vector<2000x128xf32>
    %add3A_16 = arith.addf %add3A, %add3A_15 : vector<2000x128xf32>
    %get3A_17 = arith.constant 0 : index
    %get3A_18 = arith.constant 0 : index
    %get3A_19 = vector.load %arg4[%get3A_17, %get3A_18] : memref<128x128xf32, #tpu.memory_space<vmem>>, vector<128x128xf32>
    %dot_general3A = arith.constant dense<0.000000e+00> : vector<2000x128xf32>
    %dot_general3A_20 = tpu.matmul %get3A_1, %get3A_19, %dot_general3A {dimension_numbers = #tpu.dot_dimension_numbers<[1], [0], [0], [1], [0, 0, 1, 1], [], []>, transpose_lhs_hint = false} : vector<2000x128xf32>, vector<128x128xf32>, vector<2000x128xf32> -> vector<2000x128xf32>
    %add3A_21 = arith.addf %add3A_16, %dot_general3A_20 : vector<2000x128xf32>
    %max3A = arith.constant 0.000000e+00 : f32
    %max3A_22 = vector.broadcast %max3A : f32 to vector<2000x128xf32>
    %max3A_23 = arith.maximumf %add3A_21, %max3A_22 : vector<2000x128xf32>
    %get3A_24 = arith.constant 0 : index
    %get3A_25 = arith.constant 0 : index
    %get3A_26 = vector.load %arg6[%get3A_24, %get3A_25] : memref<128x128xf32, #tpu.memory_space<vmem>>, vector<128x128xf32>
    %dot_general3A_27 = arith.constant dense<0.000000e+00> : vector<2000x128xf32>
    %dot_general3A_28 = tpu.matmul %max3A_23, %get3A_26, %dot_general3A_27 {dimension_numbers = #tpu.dot_dimension_numbers<[1], [0], [0], [1], [0, 0, 1, 1], [], []>, transpose_lhs_hint = false} : vector<2000x128xf32>, vector<128x128xf32>, vector<2000x128xf32> -> vector<2000x128xf32>
    %get3A_29 = arith.constant 0 : index
    %get3A_30 = arith.constant 0 : index
    %get3A_31 = vector.load %arg7[%get3A_29, %get3A_30] : memref<1x128xf32, #tpu.memory_space<vmem>>, vector<1x128xf32>
    %add3A_32 = vector.broadcast %get3A_31 : vector<1x128xf32> to vector<2000x128xf32>
    %add3A_33 = arith.addf %dot_general3A_28, %add3A_32 : vector<2000x128xf32>
    %reduce_sum3A = arith.constant dense<0.000000e+00> : vector<2000xf32>
    %reduce_sum3A_34 = vector.multi_reduction <add>, %add3A_33, %reduce_sum3A [1] : vector<2000x128xf32> to vector<2000xf32>
    %broadcast_in_dim3A = vector.shape_cast %reduce_sum3A_34 : vector<2000xf32> to vector<2000x1xf32>
    %div3A = arith.constant 1.280000e+02 : f32
    %div3A_35 = vector.broadcast %div3A : f32 to vector<2000x1xf32>
    %div3A_36 = arith.divf %broadcast_in_dim3A, %div3A_35 : vector<2000x1xf32>
    %sub3A = vector.broadcast %div3A_36 : vector<2000x1xf32> to vector<2000x128xf32>
    %sub3A_37 = arith.subf %add3A_33, %sub3A : vector<2000x128xf32>
    %integer_pow3A = arith.mulf %sub3A_37, %sub3A_37 : vector<2000x128xf32>
    %reduce_sum3A_38 = arith.constant dense<0.000000e+00> : vector<2000xf32>
    %reduce_sum3A_39 = vector.multi_reduction <add>, %integer_pow3A, %reduce_sum3A_38 [1] : vector<2000x128xf32> to vector<2000xf32>
    %broadcast_in_dim3A_40 = vector.shape_cast %reduce_sum3A_39 : vector<2000xf32> to vector<2000x1xf32>
    %div3A_41 = arith.constant 1.280000e+02 : f32
    %div3A_42 = vector.broadcast %div3A_41 : f32 to vector<2000x1xf32>
    %div3A_43 = arith.divf %broadcast_in_dim3A_40, %div3A_42 : vector<2000x1xf32>
    %sub3A_44 = vector.broadcast %div3A_36 : vector<2000x1xf32> to vector<2000x128xf32>
    %sub3A_45 = arith.subf %add3A_33, %sub3A_44 : vector<2000x128xf32>
    %add3A_46 = arith.constant 9.99999974E-6 : f32
    %add3A_47 = vector.broadcast %add3A_46 : f32 to vector<2000x1xf32>
    %add3A_48 = arith.addf %div3A_43, %add3A_47 : vector<2000x1xf32>
    %sqrt3A = math.sqrt %add3A_48 : vector<2000x1xf32>
    %div3A_49 = vector.broadcast %sqrt3A : vector<2000x1xf32> to vector<2000x128xf32>
    %div3A_50 = arith.divf %sub3A_45, %div3A_49 : vector<2000x128xf32>
    %get3A_51 = arith.constant 0 : index
    %get3A_52 = arith.constant 0 : index
    %get3A_53 = vector.load %arg8[%get3A_51, %get3A_52] : memref<1x128xf32, #tpu.memory_space<vmem>>, vector<1x128xf32>
    %mul3A = vector.broadcast %get3A_53 : vector<1x128xf32> to vector<2000x128xf32>
    %mul3A_54 = arith.mulf %div3A_50, %mul3A : vector<2000x128xf32>
    %get3A_55 = arith.constant 0 : index
    %get3A_56 = arith.constant 0 : index
    %get3A_57 = vector.load %arg9[%get3A_55, %get3A_56] : memref<1x128xf32, #tpu.memory_space<vmem>>, vector<1x128xf32>
    %add3A_58 = vector.broadcast %get3A_57 : vector<1x128xf32> to vector<2000x128xf32>
    %add3A_59 = arith.addf %mul3A_54, %add3A_58 : vector<2000x128xf32>
    %swap3A = arith.constant 0 : index
    %swap3A_60 = arith.constant 0 : index
    %swap3A_61 = vector.load %arg10[%swap3A, %swap3A_60] : memref<2000x128xf32, #tpu.memory_space<vmem>>, vector<2000x128xf32>
    tpu.vector_store %arg10[%swap3A, %swap3A_60], %add3A_59 {strides = array<i32>} : memref<2000x128xf32, #tpu.memory_space<vmem>>, vector<2000x128xf32>,
    %add3A_62 = arith.addf %add3A_59, %get3A_1 : vector<2000x128xf32>
    %swap3A_63 = arith.constant 0 : index
    %swap3A_64 = arith.constant 0 : index
    %swap3A_65 = vector.load %arg11[%swap3A_63, %swap3A_64] : memref<2000x128xf32, #tpu.memory_space<vmem>>, vector<2000x128xf32>
    tpu.vector_store %arg11[%swap3A_63, %swap3A_64], %add3A_62 {strides = array<i32>} : memref<2000x128xf32, #tpu.memory_space<vmem>>, vector<2000x128xf32>,
    return
  }
  func.func @transform_0(%arg0: i32) -> (i32, i32) {
    %c0_i32 = arith.constant 0 : i32
    %c0_i32_0 = arith.constant 0 : i32
    return %arg0, %c0_i32 : i32, i32
  }
  func.func @transform_1(%arg0: i32) -> (i32, i32, i32) {
    %c0_i32 = arith.constant 0 : i32
    %c0_i32_0 = arith.constant 0 : i32
    %c0_i32_1 = arith.constant 0 : i32
    return %c0_i32, %arg0, %c0_i32_0 : i32, i32, i32
  }
  func.func @transform_2(%arg0: i32) -> (i32, i32, i32) {
    %c1_i32 = arith.constant 1 : i32
    %c0_i32 = arith.constant 0 : i32
    %c0_i32_0 = arith.constant 0 : i32
    return %c1_i32, %arg0, %c0_i32 : i32, i32, i32
  }
  func.func @transform_3(%arg0: i32) -> (i32, i32) {
    %c0_i32 = arith.constant 0 : i32
    %c0_i32_0 = arith.constant 0 : i32
    %c0_i32_1 = arith.constant 0 : i32
    return %c0_i32, %c0_i32_0 : i32, i32
  }
  func.func @transform_4(%arg0: i32) -> (i32, i32) {
    %c0_i32 = arith.constant 0 : i32
    %c0_i32_0 = arith.constant 0 : i32
    %c0_i32_1 = arith.constant 0 : i32
    return %c0_i32, %c0_i32_0 : i32, i32
  }
  func.func @transform_5(%arg0: i32) -> (i32, i32) {
    %c0_i32 = arith.constant 0 : i32
    %c0_i32_0 = arith.constant 0 : i32
    %c0_i32_1 = arith.constant 0 : i32
    return %c0_i32, %c0_i32_0 : i32, i32
  }
  func.func @transform_6(%arg0: i32) -> (i32, i32) {
    %c0_i32 = arith.constant 0 : i32
    %c0_i32_0 = arith.constant 0 : i32
    %c0_i32_1 = arith.constant 0 : i32
    return %c0_i32, %c0_i32_0 : i32, i32
  }
  func.func @transform_7(%arg0: i32) -> (i32, i32) {
    %c0_i32 = arith.constant 0 : i32
    %c0_i32_0 = arith.constant 0 : i32
    %c0_i32_1 = arith.constant 0 : i32
    return %c0_i32, %c0_i32_0 : i32, i32
  }
  func.func @transform_8(%arg0: i32) -> (i32, i32) {
    %c0_i32 = arith.constant 0 : i32
    %c0_i32_0 = arith.constant 0 : i32
    %c0_i32_1 = arith.constant 0 : i32
    return %c0_i32, %c0_i32_0 : i32, i32
  }
  func.func @transform_9(%arg0: i32) -> (i32, i32) {
    %c0_i32 = arith.constant 0 : i32
    %c0_i32_0 = arith.constant 0 : i32
    return %arg0, %c0_i32 : i32, i32
  }
  func.func @transform_10(%arg0: i32) -> (i32, i32) {
    %c0_i32 = arith.constant 0 : i32
    %c0_i32_0 = arith.constant 0 : i32
    return %arg0, %c0_i32 : i32, i32
  }
}

module attributes {stable_mosaic.version = 14 : i64} {
  func.func @_proj_body(%arg0: i32, %arg1: memref<2000x128xf32, #tpu.memory_space<vmem>>, %arg2: memref<128x128xf32, #tpu.memory_space<vmem>>, %arg3: memref<128x128xf32, #tpu.memory_space<vmem>>, %arg4: memref<2000x128xf32, #tpu.memory_space<vmem>>, %arg5: memref<2000x128xf32, #tpu.memory_space<vmem>>) attributes {dimension_semantics = [#tpu.dimension_semantics<arbitrary>], iteration_bounds = array<i64: 5>, scalar_prefetch = 0 : i64, scratch_operands = 0 : i64, tpu.core_type = #tpu.core_type<tc>, window_params = [{transform_indices = @transform_0, window_bounds = array<i64: 2000, 128>}, {pipeline_mode = #tpu.pipeline_mode<synchronous>, transform_indices = @transform_1, window_bounds = array<i64: 128, 128>}, {pipeline_mode = #tpu.pipeline_mode<synchronous>, transform_indices = @transform_2, window_bounds = array<i64: 128, 128>}, {transform_indices = @transform_3, window_bounds = array<i64: 2000, 128>}, {transform_indices = @transform_4, window_bounds = array<i64: 2000, 128>}]} {
    %get3A = arith.constant 0 : index
    %get3A_0 = arith.constant 0 : index
    %get3A_1 = vector.load %arg1[%get3A, %get3A_0] : memref<2000x128xf32, #tpu.memory_space<vmem>>, vector<2000x128xf32>
    %get3A_2 = arith.constant 0 : index
    %get3A_3 = arith.constant 0 : index
    %get3A_4 = vector.load %arg2[%get3A_2, %get3A_3] : memref<128x128xf32, #tpu.memory_space<vmem>>, vector<128x128xf32>
    %dot_general3A = arith.constant dense<0.000000e+00> : vector<2000x128xf32>
    %dot_general3A_5 = tpu.matmul %get3A_1, %get3A_4, %dot_general3A {dimension_numbers = #tpu.dot_dimension_numbers<[1], [0], [0], [1], [0, 0, 1, 1], [], []>, transpose_lhs_hint = false} : vector<2000x128xf32>, vector<128x128xf32>, vector<2000x128xf32> -> vector<2000x128xf32>
    %swap3A = arith.constant 0 : index
    %swap3A_6 = arith.constant 0 : index
    %swap3A_7 = vector.load %arg4[%swap3A, %swap3A_6] : memref<2000x128xf32, #tpu.memory_space<vmem>>, vector<2000x128xf32>
    tpu.vector_store %arg4[%swap3A, %swap3A_6], %dot_general3A_5 {strides = array<i32>} : memref<2000x128xf32, #tpu.memory_space<vmem>>, vector<2000x128xf32>,
    %get3A_8 = arith.constant 0 : index
    %get3A_9 = arith.constant 0 : index
    %get3A_10 = vector.load %arg3[%get3A_8, %get3A_9] : memref<128x128xf32, #tpu.memory_space<vmem>>, vector<128x128xf32>
    %dot_general3A_11 = arith.constant dense<0.000000e+00> : vector<2000x128xf32>
    %dot_general3A_12 = tpu.matmul %get3A_1, %get3A_10, %dot_general3A_11 {dimension_numbers = #tpu.dot_dimension_numbers<[1], [0], [0], [1], [0, 0, 1, 1], [], []>, transpose_lhs_hint = false} : vector<2000x128xf32>, vector<128x128xf32>, vector<2000x128xf32> -> vector<2000x128xf32>
    %swap3A_13 = arith.constant 0 : index
    %swap3A_14 = arith.constant 0 : index
    %swap3A_15 = vector.load %arg5[%swap3A_13, %swap3A_14] : memref<2000x128xf32, #tpu.memory_space<vmem>>, vector<2000x128xf32>
    tpu.vector_store %arg5[%swap3A_13, %swap3A_14], %dot_general3A_12 {strides = array<i32>} : memref<2000x128xf32, #tpu.memory_space<vmem>>, vector<2000x128xf32>,
    return
  }
  func.func @transform_0(%arg0: i32) -> (i32, i32) {
    %c0_i32 = arith.constant 0 : i32
    %c0_i32_0 = arith.constant 0 : i32
    return %arg0, %c0_i32 : i32, i32
  }
  func.func @transform_1(%arg0: i32) -> (i32, i32) {
    %c0_i32 = arith.constant 0 : i32
    %c0_i32_0 = arith.constant 0 : i32
    %c0_i32_1 = arith.constant 0 : i32
    return %c0_i32, %c0_i32_0 : i32, i32
  }
  func.func @transform_2(%arg0: i32) -> (i32, i32) {
    %c0_i32 = arith.constant 0 : i32
    %c0_i32_0 = arith.constant 0 : i32
    %c0_i32_1 = arith.constant 0 : i32
    return %c0_i32, %c0_i32_0 : i32, i32
  }
  func.func @transform_3(%arg0: i32) -> (i32, i32) {
    %c0_i32 = arith.constant 0 : i32
    %c0_i32_0 = arith.constant 0 : i32
    return %arg0, %c0_i32 : i32, i32
  }
  func.func @transform_4(%arg0: i32) -> (i32, i32) {
    %c0_i32 = arith.constant 0 : i32
    %c0_i32_0 = arith.constant 0 : i32
    return %arg0, %c0_i32 : i32, i32
  }
}

module attributes {stable_mosaic.version = 14 : i64} {
  func.func @_node_body(%arg0: i32, %arg1: memref<2000x128xf32, #tpu.memory_space<vmem>>, %arg2: memref<2000x128xf32, #tpu.memory_space<vmem>>, %arg3: memref<2000x128xf32, #tpu.memory_space<vmem>>, %arg4: memref<128x128xf32, #tpu.memory_space<vmem>>, %arg5: memref<128x128xf32, #tpu.memory_space<vmem>>, %arg6: memref<1x128xf32, #tpu.memory_space<vmem>>, %arg7: memref<128x128xf32, #tpu.memory_space<vmem>>, %arg8: memref<1x128xf32, #tpu.memory_space<vmem>>, %arg9: memref<1x128xf32, #tpu.memory_space<vmem>>, %arg10: memref<1x128xf32, #tpu.memory_space<vmem>>, %arg11: memref<2000x128xf32, #tpu.memory_space<vmem>>) attributes {dimension_semantics = [#tpu.dimension_semantics<arbitrary>], iteration_bounds = array<i64: 5>, scalar_prefetch = 0 : i64, scratch_operands = 0 : i64, tpu.core_type = #tpu.core_type<tc>, window_params = [{transform_indices = @transform_0, window_bounds = array<i64: 2000, 128>}, {transform_indices = @transform_1, window_bounds = array<i64: 2000, 128>}, {transform_indices = @transform_2, window_bounds = array<i64: 2000, 128>}, {pipeline_mode = #tpu.pipeline_mode<synchronous>, transform_indices = @transform_3, window_bounds = array<i64: 128, 128>}, {pipeline_mode = #tpu.pipeline_mode<synchronous>, transform_indices = @transform_4, window_bounds = array<i64: 128, 128>}, {pipeline_mode = #tpu.pipeline_mode<synchronous>, transform_indices = @transform_5, window_bounds = array<i64: 1, 128>}, {pipeline_mode = #tpu.pipeline_mode<synchronous>, transform_indices = @transform_6, window_bounds = array<i64: 128, 128>}, {pipeline_mode = #tpu.pipeline_mode<synchronous>, transform_indices = @transform_7, window_bounds = array<i64: 1, 128>}, {pipeline_mode = #tpu.pipeline_mode<synchronous>, transform_indices = @transform_8, window_bounds = array<i64: 1, 128>}, {pipeline_mode = #tpu.pipeline_mode<synchronous>, transform_indices = @transform_9, window_bounds = array<i64: 1, 128>}, {transform_indices = @transform_10, window_bounds = array<i64: 2000, 128>}]} {
    %get3A = arith.constant 0 : index
    %get3A_0 = arith.constant 0 : index
    %get3A_1 = vector.load %arg1[%get3A, %get3A_0] : memref<2000x128xf32, #tpu.memory_space<vmem>>, vector<2000x128xf32>
    %get3A_2 = arith.constant 0 : index
    %get3A_3 = arith.constant 0 : index
    %get3A_4 = vector.load %arg2[%get3A_2, %get3A_3] : memref<2000x128xf32, #tpu.memory_space<vmem>>, vector<2000x128xf32>
    %get3A_5 = arith.constant 0 : index
    %get3A_6 = arith.constant 0 : index
    %get3A_7 = vector.load %arg3[%get3A_5, %get3A_6] : memref<2000x128xf32, #tpu.memory_space<vmem>>, vector<2000x128xf32>
    %add3A = arith.addf %get3A_4, %get3A_7 : vector<2000x128xf32>
    %get3A_8 = arith.constant 0 : index
    %get3A_9 = arith.constant 0 : index
    %get3A_10 = vector.load %arg4[%get3A_8, %get3A_9] : memref<128x128xf32, #tpu.memory_space<vmem>>, vector<128x128xf32>
    %dot_general3A = arith.constant dense<0.000000e+00> : vector<2000x128xf32>
    %dot_general3A_11 = tpu.matmul %get3A_1, %get3A_10, %dot_general3A {dimension_numbers = #tpu.dot_dimension_numbers<[1], [0], [0], [1], [0, 0, 1, 1], [], []>, transpose_lhs_hint = false} : vector<2000x128xf32>, vector<128x128xf32>, vector<2000x128xf32> -> vector<2000x128xf32>
    %get3A_12 = arith.constant 0 : index
    %get3A_13 = arith.constant 0 : index
    %get3A_14 = vector.load %arg5[%get3A_12, %get3A_13] : memref<128x128xf32, #tpu.memory_space<vmem>>, vector<128x128xf32>
    %dot_general3A_15 = arith.constant dense<0.000000e+00> : vector<2000x128xf32>
    %dot_general3A_16 = tpu.matmul %add3A, %get3A_14, %dot_general3A_15 {dimension_numbers = #tpu.dot_dimension_numbers<[1], [0], [0], [1], [0, 0, 1, 1], [], []>, transpose_lhs_hint = false} : vector<2000x128xf32>, vector<128x128xf32>, vector<2000x128xf32> -> vector<2000x128xf32>
    %add3A_17 = arith.addf %dot_general3A_11, %dot_general3A_16 : vector<2000x128xf32>
    %get3A_18 = arith.constant 0 : index
    %get3A_19 = arith.constant 0 : index
    %get3A_20 = vector.load %arg6[%get3A_18, %get3A_19] : memref<1x128xf32, #tpu.memory_space<vmem>>, vector<1x128xf32>
    %add3A_21 = vector.broadcast %get3A_20 : vector<1x128xf32> to vector<2000x128xf32>
    %add3A_22 = arith.addf %add3A_17, %add3A_21 : vector<2000x128xf32>
    %max3A = arith.constant 0.000000e+00 : f32
    %max3A_23 = vector.broadcast %max3A : f32 to vector<2000x128xf32>
    %max3A_24 = arith.maximumf %add3A_22, %max3A_23 : vector<2000x128xf32>
    %get3A_25 = arith.constant 0 : index
    %get3A_26 = arith.constant 0 : index
    %get3A_27 = vector.load %arg7[%get3A_25, %get3A_26] : memref<128x128xf32, #tpu.memory_space<vmem>>, vector<128x128xf32>
    %dot_general3A_28 = arith.constant dense<0.000000e+00> : vector<2000x128xf32>
    %dot_general3A_29 = tpu.matmul %max3A_24, %get3A_27, %dot_general3A_28 {dimension_numbers = #tpu.dot_dimension_numbers<[1], [0], [0], [1], [0, 0, 1, 1], [], []>, transpose_lhs_hint = false} : vector<2000x128xf32>, vector<128x128xf32>, vector<2000x128xf32> -> vector<2000x128xf32>
    %get3A_30 = arith.constant 0 : index
    %get3A_31 = arith.constant 0 : index
    %get3A_32 = vector.load %arg8[%get3A_30, %get3A_31] : memref<1x128xf32, #tpu.memory_space<vmem>>, vector<1x128xf32>
    %add3A_33 = vector.broadcast %get3A_32 : vector<1x128xf32> to vector<2000x128xf32>
    %add3A_34 = arith.addf %dot_general3A_29, %add3A_33 : vector<2000x128xf32>
    %reduce_sum3A = arith.constant dense<0.000000e+00> : vector<2000xf32>
    %reduce_sum3A_35 = vector.multi_reduction <add>, %add3A_34, %reduce_sum3A [1] : vector<2000x128xf32> to vector<2000xf32>
    %broadcast_in_dim3A = vector.shape_cast %reduce_sum3A_35 : vector<2000xf32> to vector<2000x1xf32>
    %div3A = arith.constant 1.280000e+02 : f32
    %div3A_36 = vector.broadcast %div3A : f32 to vector<2000x1xf32>
    %div3A_37 = arith.divf %broadcast_in_dim3A, %div3A_36 : vector<2000x1xf32>
    %sub3A = vector.broadcast %div3A_37 : vector<2000x1xf32> to vector<2000x128xf32>
    %sub3A_38 = arith.subf %add3A_34, %sub3A : vector<2000x128xf32>
    %integer_pow3A = arith.mulf %sub3A_38, %sub3A_38 : vector<2000x128xf32>
    %reduce_sum3A_39 = arith.constant dense<0.000000e+00> : vector<2000xf32>
    %reduce_sum3A_40 = vector.multi_reduction <add>, %integer_pow3A, %reduce_sum3A_39 [1] : vector<2000x128xf32> to vector<2000xf32>
    %broadcast_in_dim3A_41 = vector.shape_cast %reduce_sum3A_40 : vector<2000xf32> to vector<2000x1xf32>
    %div3A_42 = arith.constant 1.280000e+02 : f32
    %div3A_43 = vector.broadcast %div3A_42 : f32 to vector<2000x1xf32>
    %div3A_44 = arith.divf %broadcast_in_dim3A_41, %div3A_43 : vector<2000x1xf32>
    %sub3A_45 = vector.broadcast %div3A_37 : vector<2000x1xf32> to vector<2000x128xf32>
    %sub3A_46 = arith.subf %add3A_34, %sub3A_45 : vector<2000x128xf32>
    %add3A_47 = arith.constant 9.99999974E-6 : f32
    %add3A_48 = vector.broadcast %add3A_47 : f32 to vector<2000x1xf32>
    %add3A_49 = arith.addf %div3A_44, %add3A_48 : vector<2000x1xf32>
    %sqrt3A = math.sqrt %add3A_49 : vector<2000x1xf32>
    %div3A_50 = vector.broadcast %sqrt3A : vector<2000x1xf32> to vector<2000x128xf32>
    %div3A_51 = arith.divf %sub3A_46, %div3A_50 : vector<2000x128xf32>
    %get3A_52 = arith.constant 0 : index
    %get3A_53 = arith.constant 0 : index
    %get3A_54 = vector.load %arg9[%get3A_52, %get3A_53] : memref<1x128xf32, #tpu.memory_space<vmem>>, vector<1x128xf32>
    %mul3A = vector.broadcast %get3A_54 : vector<1x128xf32> to vector<2000x128xf32>
    %mul3A_55 = arith.mulf %div3A_51, %mul3A : vector<2000x128xf32>
    %get3A_56 = arith.constant 0 : index
    %get3A_57 = arith.constant 0 : index
    %get3A_58 = vector.load %arg10[%get3A_56, %get3A_57] : memref<1x128xf32, #tpu.memory_space<vmem>>, vector<1x128xf32>
    %add3A_59 = vector.broadcast %get3A_58 : vector<1x128xf32> to vector<2000x128xf32>
    %add3A_60 = arith.addf %mul3A_55, %add3A_59 : vector<2000x128xf32>
    %add3A_61 = arith.addf %add3A_60, %get3A_1 : vector<2000x128xf32>
    %swap3A = arith.constant 0 : index
    %swap3A_62 = arith.constant 0 : index
    %swap3A_63 = vector.load %arg11[%swap3A, %swap3A_62] : memref<2000x128xf32, #tpu.memory_space<vmem>>, vector<2000x128xf32>
    tpu.vector_store %arg11[%swap3A, %swap3A_62], %add3A_61 {strides = array<i32>} : memref<2000x128xf32, #tpu.memory_space<vmem>>, vector<2000x128xf32>,
    return
  }
  func.func @transform_0(%arg0: i32) -> (i32, i32) {
    %c0_i32 = arith.constant 0 : i32
    %c0_i32_0 = arith.constant 0 : i32
    return %arg0, %c0_i32 : i32, i32
  }
  func.func @transform_1(%arg0: i32) -> (i32, i32) {
    %c0_i32 = arith.constant 0 : i32
    %c0_i32_0 = arith.constant 0 : i32
    return %arg0, %c0_i32 : i32, i32
  }
  func.func @transform_2(%arg0: i32) -> (i32, i32) {
    %c0_i32 = arith.constant 0 : i32
    %c0_i32_0 = arith.constant 0 : i32
    return %arg0, %c0_i32 : i32, i32
  }
  func.func @transform_3(%arg0: i32) -> (i32, i32) {
    %c0_i32 = arith.constant 0 : i32
    %c0_i32_0 = arith.constant 0 : i32
    %c0_i32_1 = arith.constant 0 : i32
    return %c0_i32, %c0_i32_0 : i32, i32
  }
  func.func @transform_4(%arg0: i32) -> (i32, i32) {
    %c0_i32 = arith.constant 0 : i32
    %c0_i32_0 = arith.constant 0 : i32
    %c0_i32_1 = arith.constant 0 : i32
    return %c0_i32, %c0_i32_0 : i32, i32
  }
  func.func @transform_5(%arg0: i32) -> (i32, i32) {
    %c0_i32 = arith.constant 0 : i32
    %c0_i32_0 = arith.constant 0 : i32
    %c0_i32_1 = arith.constant 0 : i32
    return %c0_i32, %c0_i32_0 : i32, i32
  }
  func.func @transform_6(%arg0: i32) -> (i32, i32) {
    %c0_i32 = arith.constant 0 : i32
    %c0_i32_0 = arith.constant 0 : i32
    %c0_i32_1 = arith.constant 0 : i32
    return %c0_i32, %c0_i32_0 : i32, i32
  }
  func.func @transform_7(%arg0: i32) -> (i32, i32) {
    %c0_i32 = arith.constant 0 : i32
    %c0_i32_0 = arith.constant 0 : i32
    %c0_i32_1 = arith.constant 0 : i32
    return %c0_i32, %c0_i32_0 : i32, i32
  }
  func.func @transform_8(%arg0: i32) -> (i32, i32) {
    %c0_i32 = arith.constant 0 : i32
    %c0_i32_0 = arith.constant 0 : i32
    %c0_i32_1 = arith.constant 0 : i32
    return %c0_i32, %c0_i32_0 : i32, i32
  }
  func.func @transform_9(%arg0: i32) -> (i32, i32) {
    %c0_i32 = arith.constant 0 : i32
    %c0_i32_0 = arith.constant 0 : i32
    %c0_i32_1 = arith.constant 0 : i32
    return %c0_i32, %c0_i32_0 : i32, i32
  }
  func.func @transform_10(%arg0: i32) -> (i32, i32) {
    %c0_i32 = arith.constant 0 : i32
    %c0_i32_0 = arith.constant 0 : i32
    return %arg0, %c0_i32 : i32, i32
  }
}

</mosaic_0001>

<sc_bundles>
// kernel: kernel.10.cloned.1.call-start
scs
__scs_entry_jumppad:
0x0: {  	(pc) =	sbr.rel $0x88, $3  }
0x1: {  	(tag) =	ssettag $0x0;
	lr =	simm.s32 $0x1  }
0x2: {  	[smem:$0x3F91] =	sst lr;
	_ =	strace $0xD0000000  }
0x3: {  	_ = 	snop  }
0x4: {  	_ = 	snop  }
0x5: {  	_ = 	snop  }
0x6: {  	_ = 	snop  }
0x7: {  	_ = 	snop  }
__scs_overlays_trampoline_lowered:
0x8: {  	[smem:$0x3FA0] =	sst s0  }
0x9: {  	[smem:$0x3FA1] =	sst s1  }
0xa: {  	[smem:$0x3FA2] =	sst s2  }
0xb: {  	[smem:$0x3FA3] =	sst s3  }
0xc: {  	[smem:$0x3FA4] =	sst s4  }
0xd: {  	[smem:$0x3FA5] =	sst s5  }
0xe: {  	[smem:$0x3FA6] =	sst s6  }
0xf: {  	[smem:$0x3FA7] =	sst s7  }
0x10: {  	[smem:$0x3FA8] =	sst s8  }
0x11: {  	[smem:$0x3FA9] =	sst s9;
	s0 =	simm.s32 @!p0 $0x0  }
0x12: {  	s1 =	sld [smem:$0x3F8F];
	s0 =	simm.s32 @p0 $0x1  }
0x13: {  	[smem:$0x3FAA] =	sst s0;
	s0 =	simm.s32 @!p1 $0x0  }
0x14: {  	s2 =	sld [smem:$0x3F8E];
	s0 =	simm.s32 @p1 $0x1  }
0x15: {  	[smem:$0x3FAB] =	sst s0;
	s0 =	simm.s32 @!p2 $0x0  }
0x16: {  	s3 =	sld [smem:$0x3FDB];
	s0 =	simm.s32 @p2 $0x1  }
0x17: {  	s4 =	simm.s32 $0x1BF5;
	[smem:$0x3FAD] =	sst s0  }
0x18: {  	s0 =	sld [smem:$0x3F90];
	_ =	swait.ge [sflag:s4], $0x0  }
0x19: {  	s7 =	sld [smem:$0x3F91]  }
0x1a: {  	s8 =	sadd.s32 $0xFFFFE003, lr  }
0x1b: {  	s9 =	sadd.s32 $0xFFFFFEF7, lr;
	s5 =	simm.s32 $0xFFFFFFFF;
	p2 =	slt.u32 s8, $0xFFFFF086  }
0x1c: {  	p1 =	slt.u32 s9, $0xF7A;
	s5 =	simm.s32 @!p2 $0x0  }
0x1d: {  	s5 =	simm.s32 @p1 $0x1;
	p0 =	seq.s32 s7, s2  }
0x1e: {  	s7 =	smul.u32 @!p0 $0xF7A, s2;
	p2 =	seq.s32 @!p0 s5, $0x0  }
0x1f: {  	s9 =	smul.u32 $0xF7A, s1;
	s8 =	simm.s32 @!p0 $0x1BF5;
	p2 =	por !p2, p0  }
0x20: {  	[sflag:s8] =	ssyncset.s32 @!p0 $0xFFFFF086;
	s6 =	sadd.s32 @!p0 s3, s7;
	s7 =	simm.s32 @!p0 $0x108  }
0x21: {  	s3 =	sadd.s32 s3, s9;
	s6 =	sadd.s32 @!p0 $0x88, s6;
	s7 =	simm.s32 @p2 $0x1082  }
0x22: {  	[simem:s7], [sflag:s8] =	dma.local @!p0 [hbm:s6], $0xF7A  }
0x23: {  	s9 =	sor.u32 $0xD0000000, s2;
	s6 =	simm.s32 $0x108;
	_ =	swait.ge @!p0 [sflag:s8], $0x0  }
0x24: {  	s3 =	sadd.s32 $0x88, s3;
	s6 =	simm.s32 @!p1 $0x1082;
	[sflag:s4] =	ssyncset.s32 $0xFFFFF086  }
0x25: {  	[simem:s6], [sflag:s4] =	dma.local [hbm:s3], $0xF7A  }
0x26: {  	[smem:$0x3F91] =	sst s1;
	(tag) =	ssettag s2;
	_ =	strace s9  }
0x27: {  	s1 =	sld [smem:$0x3FA1]  }
0x28: {  	s2 =	sld [smem:$0x3FA2]  }
0x29: {  	s4 =	sld [smem:$0x3FA4]  }
0x2a: {  	p0 =	seq.s32 s5, $0x0;
	s5 =	sld [smem:$0x3FA5]  }
0x2b: {  	s6 =	sld [smem:$0x3FA6]  }
0x2c: {  	s7 =	sld [smem:$0x3FA7]  }
0x2d: {  	s3 =	simm.s32 $0x108;
	s8 =	sld [smem:$0x3FA8]  }
0x2e: {  	s3 =	simm.s32 @!p0 $0x1082;
	s9 =	sld [smem:$0x3FA9]  }
0x2f: {  	lr =	sadd.s32 s0, s3;
	s0 =	sld [smem:$0x3FA0]  }
0x30: {  	s3 =	sld [smem:$0x3FA3]  }
0x31: {  	[smem:$0x3FAC] =	sst s10  }
0x32: {  	s10 =	sld [smem:$0x3FAA];
	_ =	sdelay $0x3  }
0x33: {  	p0 =	seq.s32 s10, $0x1;
	s10 =	sld [smem:$0x3FAC];
	_ =	sdelay $0x3  }
0x34: {  	[smem:$0x3FAC] =	sst s10  }
0x35: {  	s10 =	sld [smem:$0x3FAB];
	_ =	sdelay $0x3  }
0x36: {  	p1 =	seq.s32 s10, $0x1;
	s10 =	sld [smem:$0x3FAC];
	_ =	sdelay $0x3  }
0x37: {  	[smem:$0x3FAC] =	sst s10  }
0x38: {  	s10 =	sld [smem:$0x3FAD]  }
0x39: {  	_ = 	snop;
	(pc) =	sbr.ind lr, $3  }
0x3a: {  	_ = 	snop  }
0x3b: {  	_ = 	snop  }
0x3c: {  	p2 =	seq.s32 s10, $0x1;
	s10 =	sld [smem:$0x3FAC]  }
0x3d: {  	_ =	shalt  }
0x3e: {  	_ =	shalt  }
0x3f: {  	_ =	shalt  }
0x40: {  	_ =	shalt  }
0x41: {  	_ =	shalt  }
0x42: {  	_ =	shalt  }
0x43: {  	_ =	shalt  }
0x44: {  	_ =	shalt  }
0x45: {  	_ =	shalt  }
0x46: {  	_ =	shalt  }
0x47: {  	_ =	shalt  }
0x48: {  	_ =	shalt  }
0x49: {  	_ =	shalt  }
0x4a: {  	_ =	shalt  }
0x4b: {  	_ =	shalt  }
0x4c: {  	_ =	shalt  }
0x4d: {  	_ =	shalt  }
0x4e: {  	_ =	shalt  }
0x4f: {  	_ =	shalt  }
0x50: {  	_ =	shalt  }
0x51: {  	_ =	shalt  }
0x52: {  	_ =	shalt  }
0x53: {  	_ =	shalt  }
0x54: {  	_ =	shalt  }
0x55: {  	_ =	shalt  }
0x56: {  	_ =	shalt  }
0x57: {  	_ =	shalt  }
0x58: {  	_ =	shalt  }
0x59: {  	_ =	shalt  }
0x5a: {  	_ =	shalt  }
0x5b: {  	_ =	shalt  }
0x5c: {  	_ =	shalt  }
0x5d: {  	_ =	shalt  }
0x5e: {  	_ =	shalt  }
0x5f: {  	_ =	shalt  }
0x60: {  	_ =	shalt  }
0x61: {  	_ =	shalt  }
0x62: {  	_ =	shalt  }
0x63: {  	_ =	shalt  }
0x64: {  	_ =	shalt  }
0x65: {  	_ =	shalt  }
0x66: {  	_ =	shalt  }
0x67: {  	_ =	shalt  }
0x68: {  	_ =	shalt  }
0x69: {  	_ =	shalt  }
0x6a: {  	_ =	shalt  }
0x6b: {  	_ =	shalt  }
0x6c: {  	_ =	shalt  }
0x6d: {  	_ =	shalt  }
0x6e: {  	_ =	shalt  }
0x6f: {  	_ =	shalt  }
0x70: {  	_ =	shalt  }
0x71: {  	_ =	shalt  }
0x72: {  	_ =	shalt  }
0x73: {  	_ =	shalt  }
0x74: {  	_ =	shalt  }
0x75: {  	_ =	shalt  }
0x76: {  	_ =	shalt  }
0x77: {  	_ =	shalt  }
0x78: {  	_ =	shalt  }
0x79: {  	_ =	shalt  }
0x7a: {  	_ =	shalt  }
0x7b: {  	_ =	shalt  }
0x7c: {  	_ =	shalt  }
0x7d: {  	_ =	shalt  }
0x7e: {  	_ =	shalt  }
0x7f: {  	_ =	shalt  }
0x80: {  	_ =	shalt  }
0x81: {  	_ =	shalt  }
0x82: {  	_ =	shalt  }
0x83: {  	_ =	shalt  }
0x84: {  	_ =	shalt  }
0x85: {  	_ =	shalt  }
0x86: {  	_ =	shalt  }
0x87: {  	_ =	shalt  }
.Lfunc_end0:
.L_simem_size_0:
called_computation.1_lowered:
.L_overlay_start_0:
0x88: {  	s2 =	sld [smem:$0x3FD9]  }
0x89: {  	s3 =	sld [smem:$0x3FFE];
	_ =	sdelay $0x1  }
0x8a: {  	s1 =	srdreg.scid  }
0x8b: {  	s0 =	sand.u32 $0x1, s1  }
0x8c: {  	s17 =	sshll.u32 s0, $0xA;
	s2 =	sadd.s32 s3, s2  }
0x8d: {  	s2 =	sadd.s32 s2, s17  }
0x8e: {  	[smem:$0x3FB8] =	sst s2  }
0x8f: {  	_ = 	snop  }
0x90: {  	s2 =	sld [smem:$0x3FC6];
	(tm) =	ssettm $0x1  }
0x91: {  	s18 =	sld [smem:$0x3FFB];
	_ =	sdelay $0x3  }
0x92: {  	_ =	strace s18  }
0x93: {  	s3 =	sld [smem:$0x3FFC];
	_ =	sdelay $0x3  }
0x94: {  	_ =	strace s3  }
0x95: {  	s3 =	sld [smem:$0x3FFD];
	_ =	sdelay $0x3  }
0x96: {  	_ =	strace s3  }
0x97: {  	_ =	strace $0x8FFFFFFF  }
0x98: {  	s19 =	sld [smem:$0x3FDB];
	_ =	sdelay $0x1  }
0x99: {  	s4 =	simm.s32 $_scs_section_size  }
0x9a: {  	s5 =	simm.s32 $_size__tile_overlayer_lowered;
	s6 =	simm.s32 $_tile_overlayer_lowered  }
0x9b: {  	s22 =	simm.s32 $0x1BFF;
	s21 =	sshll.u32 s6, $0x1;
	s3 =	sadd.s32 s4, s19  }
0x9c: {  	s7 =	simm.s32 $0x0;
	s20 =	sshll.u32 s5, $0x1;
	s5 =	sadd.s32 s21, s3  }
0x9d: {  	[timem:s7], [sflag:s22] =	dma.local [hbm:s5], s20  }
0x9e: {  	_ =	swait.ge [sflag:s22], s20  }
0x9f: {  	s4 =	ssub.s32 $0x0, s20;
	[sflag:s22] =	ssyncset.done $0x0  }
0xa0: {  	[sflag:s22] =	ssyncadd.s32 s4;
	_ =	sdelay $0x1  }
0xa1: {  	s23 =	simm.s32 $0x1B8B  }
0xa2: {  	_ =	swait.ge [sflag:s23], $0x1  }
0xa3: {  	[sflag:s23] =	ssyncset.done $0x0  }
0xa4: {  	s25 =	simm.s32 $0x1B8E;
	s24 =	sld [smem:$0x3FFE];
	[sflag:s23] =	ssyncadd.s32 $0xFFFFFFFF  }
0xa5: {  	s26 =	simm.s32 $execute0_lowered;
	[smem:$0x3FD2] =	sst s25  }
0xa6: {  	s5 =	sshll.u32 s26, $0x1;
	_ =	strace $0x80000049;
	[dreg:$0x1] =	wrdreg $0xFFFFFFFF  }
0xa7: {  	s28 =	simm.s32 $_size_execute0_lowered;
	s3 =	sadd.s32 s3, s5;
	[dreg:$0x0] =	wrdreg $0x0  }
0xa8: {  	s5 =	sshll.u32 s28, $0x1;
	[dreg:$0x2] =	wrdreg s3  }
0xa9: {  	[dreg:$0x3] =	wrdreg s5  }
0xaa: {  	[dreg:$0x4] =	wrdreg $0xC0  }
0xab: {  	_ =	task [dreg:s7], $0x5FFFF  }
0xac: {  	[dreg:$0x1] =	wrdreg $0xFFFFFFFF  }
0xad: {  	[dreg:$0x0] =	wrdreg $0x60  }
0xae: {  	[dreg:$0x2] =	wrdreg s24  }
0xaf: {  	[dreg:$0x3] =	wrdreg s2  }
0xb0: {  	[dreg:$0x4] =	wrdreg $0xC1800  }
0xb1: {  	[dreg:$0x5] =	wrdreg $0x9  }
0xb2: {  	_ =	task.clear_ibuf [dreg:s7], $0x6FFFF;
	_ =	strace $0x90000049  }
0xb3: {  	s29 =	simm.s32 $0x9;
	_ =	strace $0x8000004B  }
0xb4: {  	_ =	swait.ge [sflag:s29], $0x1  }
0xb5: {  	[sflag:s29] =	ssyncadd.s32 $0xFFFFFFFF  }
0xb6: {  	_ =	strace $0x9000004B  }
0xb7: {  	_ =	sfence  }
0xb8: {  	s30 =	sld [smem:$0x0];
	_ =	sdelay $0x2  }
0xb9: {  	s31 =	sshll.u32 s1, $0xD;
	s1 =	sshrl.u32 s1, $0x2  }
0xba: {  	s3 =	sand.u32 $0x4000, s31;
	s1 =	sadd.s32 s1, s30  }
0xbb: {  	s0 =	sor.u32 s3, s0;
	s1 =	sshll.u32 s1, $0x11  }
0xbc: {  	s0 =	sor.u32 s1, s0  }
0xbd: {  	s0 =	sadd.s32 $0x8F2B, s0  }
0xbe: {  	[sflag:s0] =	ssyncadd.remote.s32 $0x1  }
0xbf: {  	_ =	sfence.sel $0xFFFF  }
0xc0: {  	[dreg:$0x0] =	wrdreg $0xFFFFFFFF;
	(pc) =	sbr.abs _section_cstart, $3  }
0xc1: {  	[dreg:$0x1] =	wrdreg $0xFFFFFFFF  }
0xc2: {  	_ =	task.clear_ibuf [dreg:s7], $0x2FFFF;
	_ =	strace $0x9FFFFFFF  }
0xc3: {  	(tm) =	ssettm $0x7FFFFFFF  }
tec
execute0_lowered:
.L_overlay_start_1:
0x0: {  	(tag) =	ssettag $0x1  }
0x1: {  	s0 =	rddreg [dreg:$0x0];
	s1 =	srdreg.scid  }
0x2: {  	s4 =	rddreg [dreg:$0x1];
	s20 =	stileid.u32  }
0x3: {  	s29 =	simm.s32 $0x180;
	s30 =	simm.s32 $0xA;
	s31 =	simm.s32 $0x80  }
0x4: {  	s3 =	sand.u32 $0x1, s1;
	s1 =	simm.s32 $0x0;
	s5 =	sadd.s32 $0x9F8000, s0  }
0x5: {  	s7 =	smul.u32 $0x13C00, s20;
	s8 =	sadd.s32 $0x3800, s0;
	s21 =	sshll.u32 s20, $0x1  }
0x6: {  	p0 =	sgt.u32 s20, $0x1;
	s2 =	ssub.s32 $0x2, s3;
	s17 =	smul.u32 $0x13C000, s3  }
0x7: {  	[smem:$0x7FF] =	sst s1;
	s6 =	sshrl.u32 s2, $0x1;
	s9 =	sadd.s32 $0x8000, s7  }
0x8: {  	s10 =	sadd.s32 $0xC000, s7;
	s14 =	sadd.s32 $0x10000, s7;
	s0 =	ssub.s32 s2, s6  }
0x9: {  	s2 =	sor.u32 s3, s21;
	s6 =	sadd.s32 $0x4000, s7;
	s7 =	sadd.s32 s7, s17  }
0xa: {  	s11 =	sshll.u32 s2, $0x4;
	s13 =	sor.u32 $0x20, s2;
	s15 =	sor.u32 $0x60, s2  }
0xb: {  	s18 =	sadd.s32 s17, s6;
	s7 =	sshrl.u32 s7, $0x3;
	s0 =	smax.u32 s0, $0x1  }
0xc: {  	s28 =	sor.u32 $0xE0, s2;
	s11 =	sadd.s32 s4, s11;
	s22 =	sshll.u32 s13, $0x4  }
0xd: {  	s16 =	sshll.u32 s15, $0x4;
	s25 =	sshrl.u32 s18, $0x3;
	s7 =	sadd.s32 s8, s7  }
0xe: {  	s18 =	sadd.s32 s17, s10;
	[dreg:$0x4] =	wrdreg s11;
	s11 =	sadd.s32 s4, s22  }
0xf: {  	s23 =	sadd.s32 s4, s16;
	s16 =	sor.u32 $0x80, s2;
	[dreg:$0x9] =	wrdreg s7  }
0x10: {  	s26 =	sadd.s32 s8, s25;
	s19 =	sshrl.u32 s18, $0x3;
	s25 =	sshll.u32 s3, $0x4  }
0x11: {  	s18 =	smul.u32 $0x4F000, s20;
	[dreg:$0x5] =	wrdreg s11;
	s11 =	sor.u32 $0x40, s2  }
0x12: {  	s3 =	sshll.u32 s3, $0xB;
	[dreg:$0x7] =	wrdreg s23;
	s12 =	sshll.u32 s11, $0x4  }
0x13: {  	s24 =	sshll.u32 s16, $0x4;
	[dreg:$0xa] =	wrdreg s26;
	s12 =	sadd.s32 s4, s12  }
0x14: {  	s23 =	sshll.u32 s20, $0x5;
	[dreg:$0x6] =	wrdreg s12;
	s12 =	sadd.s32 s4, s24  }
0x15: {  	s4 =	sadd.s32 s23, s4;
	s24 =	sshll.u32 s2, $0xB;
	s23 =	sshrl.u32 s18, $0x2  }
0x16: {  	s2 =	simm.s32 $0x4;
	[dreg:$0x8] =	wrdreg s12;
	s12 =	sadd.s32 s17, s9  }
0x17: {  	s17 =	sadd.s32 s17, s14;
	s26 =	sadd.s32 s5, s24;
	s7 =	sshrl.u32 s12, $0x3  }
0x18: {  	s21 =	sshrl.u32 s17, $0x3;
	[dreg:$0xe] =	wrdreg s26;
	s7 =	sadd.s32 s8, s7  }
0x19: {  	s12 =	sadd.s32 s25, s4;
	s22 =	sadd.s32 s8, s21;
	[dreg:$0xb] =	wrdreg s7  }
0x1a: {  	s17 =	sshll.u32 s16, $0xB;
	s21 =	sshll.u32 s20, $0xC;
	[dreg:$0xd] =	wrdreg s22  }
0x1b: {  	s7 =	sadd.s32 s8, s19;
	s8 =	sshll.u32 s11, $0xB;
	s19 =	rddreg [dreg:$0x2]  }
0x1c: {  	s11 =	sshll.u32 s15, $0xB;
	s22 =	sadd.s32 s21, s5;
	[dreg:$0xc] =	wrdreg s7  }
0x1d: {  	s7 =	sshll.u32 s13, $0xB;
	s13 =	sadd.s32 s5, s8;
	s15 =	sadd.s32 s5, s11  }
0x1e: {  	s3 =	sadd.s32 s3, s22;
	s21 =	sadd.s32 s23, s19;
	s22 =	sadd.s32 s6, s19  }
0x1f: {  	s25 =	sadd.s32 s9, s19;
	s26 =	sadd.s32 s10, s19;
	s24 =	sadd.s32 s14, s19  }
0x20: {  	s6 =	simm.s32 $0x5;
	s8 =	simm.s32 $0x3;
	[dreg:$0x10] =	wrdreg s13  }
0x21: {  	s9 =	simm.s32 $0x6;
	s4 =	sadd.s32 s5, s7;
	[dreg:$0x11] =	wrdreg s15  }
0x22: {  	s10 =	simm.s32 $0x8;
	[dreg:$0xf] =	wrdreg s4;
	s4 =	sadd.s32 s5, s17  }
0x23: {  	s11 =	simm.s32 $0x9;
	s18 =	sadd.s32 $0x70000, s3;
	[dreg:$0x12] =	wrdreg s4  }
0x24: {  	s3 =	simm.s32 $0x100;
	_ =	strace $0x8000004A;
	[dreg:$0x15] =	wrdreg s24  }
0x25: {  	s7 =	simm.s32 $0x7;
	s13 =	simm.s32 $0x0;
	[dreg:$0x16] =	wrdreg s0  }
0x26: {  	s17 =	simm.s32 $0x4180;
	s5 =	simm.s32 $0x2;
	[dreg:$0x13] =	wrdreg s25  }
0x27: {  	v0 =	vimm.f32 $0.0e+00;
	s4 =	simm.s32 $0x8180;
	s0 =	simm.s32 $0x1;
	[dreg:$0x14] =	wrdreg s26  }
.LBB2_1:
0x28: {  	s14 =	sand.u32 $0xFE00, s1  }
0x29: {  	s15 =	sand.u32 $0x70, s1;
	s16 =	sshrl.u32 s14, $0x2  }
0x2a: {  	s14 =	simm.s32 $0x40;
	s16 =	sor.u32 s15, s16;
	s15 =	simm.s32 $0x0  }
.LBB2_2:
0x2b: {  	p1 =	sne.s32 s14, $0xFFC0  }
0x2c: {  	[tilespmem:s16+$0x180] =	vst v0;
	s15 =	sadd.s32 $0x10, s15;
	s16 =	smov.u32 s14;
	s14 =	sadd.s32 $0x40, s14  }
.Ltmp0:
0x2d: {  	(pc) =	sbr.rel @p1 .LBB2_2-.Ltmp0, $4  }
0x2e: {  	_ = 	snop  }
0x2f: {  	s16 =	sand.u32 $0xFE00, s16  }
0x30: {  	s20 =	sand.u32 $0x70, s15;
	s16 =	sshrl.u32 s16, $0x2  }
0x31: {  	s16 =	sor.u32 s20, s16  }
0x32: {  	[tilespmem:s16+$0x180] =	vst v0  }
0x33: {  	[spmem:s21] =	stream.linear.scatter [tilespmem:s29], [sflag:$0xA], $0x4000, $0x38;
	[tilespmem:$0x1FD80] =	vst v63  }
0x34: {  	_ =	swait.ge [sflag:s30], $0x4000  }
0x35: {  	[sflag:s30] =	ssyncset.done $0x0  }
0x36: {  	[sflag:s30] =	ssyncadd.s32 $0xFFFFC000  }
0x37: {  	[spmem:s22] =	stream.linear.scatter [tilespmem:s29], [sflag:$0xA], $0x4000, $0x38;
	[tilespmem:$0x1FD80] =	vst v63  }
0x38: {  	_ =	swait.ge [sflag:s30], $0x4000  }
0x39: {  	[sflag:s30] =	ssyncset.done $0x0  }
0x3a: {  	[sflag:s30] =	ssyncadd.s32 $0xFFFFC000  }
0x3b: {  	[spmem:s25] =	stream.linear.scatter [tilespmem:s29], [sflag:$0xA], $0x4000, $0x38;
	[tilespmem:$0x1FD80] =	vst v63  }
0x3c: {  	_ =	swait.ge [sflag:s30], $0x4000  }
0x3d: {  	[sflag:s30] =	ssyncset.done $0x0  }
0x3e: {  	[sflag:s30] =	ssyncadd.s32 $0xFFFFC000  }
0x3f: {  	[spmem:s26] =	stream.linear.scatter [tilespmem:s29], [sflag:$0xA], $0x4000, $0x38;
	[tilespmem:$0x1FD80] =	vst v63  }
0x40: {  	_ =	swait.ge [sflag:s30], $0x4000  }
0x41: {  	[sflag:s30] =	ssyncset.done $0x0  }
0x42: {  	s14 =	rddreg [dreg:$0x15];
	[sflag:s30] =	ssyncadd.s32 $0xFFFFC000  }
0x43: {  	[spmem:s14] =	stream.linear.scatter [tilespmem:s29], [sflag:$0xA], $0x3C00, $0x38;
	[tilespmem:$0x1FD80] =	vst v63  }
0x44: {  	_ =	swait.ge [sflag:s30], $0x3C00  }
0x45: {  	[sflag:s30] =	ssyncset.done $0x0  }
0x46: {  	[sflag:s30] =	ssyncadd.s32 $0xFFFFC400  }
0x47: {  	[bflag:$0x0] =	sbarrier.arrive $0xFFFF  }
0x48: {  	s14 =	simm.s32 $0x0;
	s15 =	rddreg [dreg:$0x4]  }
0x49: {  	[tilespmem:s14], [sflag:$0x1] =	stream.linear.gather [hbm4b:s15+s14], $0x80, $0x38;
	[tilespmem:$0x1FD80] =	vst v63  }
0x4a: {  	s16 =	rddreg [dreg:$0xe]  }
0x4b: {  	[tilespmem:s29], [sflag:$0x4] =	stream.linear.gather [hbm4b:s16+s14], $0x4000, $0x38;
	[tilespmem:$0x1FD80] =	vst v63  }
0x4c: {  	s20 =	rddreg [dreg:$0x5]  }
0x4d: {  	[tilespmem:s31], [sflag:$0x2] =	stream.linear.gather [hbm4b:s20+s14], $0x80, $0x38;
	[tilespmem:$0x1FD80] =	vst v63  }
0x4e: {  	s23 =	smov.u32 s21;
	s21 =	rddreg [dreg:$0xf]  }
0x4f: {  	[tilespmem:s17], [sflag:$0x5] =	stream.linear.gather [hbm4b:s21+s14], $0x4000, $0x38;
	[tilespmem:$0x1FD80] =	vst v63  }
0x50: {  	_ =	swait.ge [sflag:s0], $0x80  }
0x51: {  	[sflag:s0] =	ssyncset.done $0x0  }
0x52: {  	[sflag:s0] =	ssyncadd.s32 $0xFFFFFF80  }
0x53: {  	_ =	swait.ge [sflag:s2], $0x4000  }
0x54: {  	[sflag:s2] =	ssyncset.done $0x0  }
0x55: {  	[sflag:s2] =	ssyncadd.s32 $0xFFFFC000  }
0x56: {  	[spmem:s19] =	stream.indirect.scatter.add.f32 [tilespmem:s29], [sflag:$0x7], $0x80, s14, s31, $0xb8;
	[tilespmem:$0x1FD80] =	vst v63  }
0x57: {  	s24 =	smov.u32 s22;
	s22 =	rddreg [dreg:$0x6]  }
0x58: {  	[tilespmem:s3], [sflag:$0x3] =	stream.linear.gather [hbm4b:s22+s14], $0x80, $0x38;
	[tilespmem:$0x1FD80] =	vst v63  }
0x59: {  	s25 =	rddreg [dreg:$0x10]  }
0x5a: {  	[tilespmem:s4], [sflag:$0x6] =	stream.linear.gather [hbm4b:s25+s14], $0x4000, $0x38;
	[tilespmem:$0x1FD80] =	vst v63  }
0x5b: {  	_ =	swait.ge [sflag:s5], $0x80  }
0x5c: {  	[sflag:s5] =	ssyncset.done $0x0  }
0x5d: {  	[sflag:s5] =	ssyncadd.s32 $0xFFFFFF80  }
0x5e: {  	_ =	swait.ge [sflag:s6], $0x4000  }
0x5f: {  	[sflag:s6] =	ssyncset.done $0x0  }
0x60: {  	[sflag:s6] =	ssyncadd.s32 $0xFFFFC000  }
0x61: {  	[spmem:s19] =	stream.indirect.scatter.add.f32 [tilespmem:s17], [sflag:$0x8], $0x80, s31, s31, $0xb8;
	[tilespmem:$0x1FD80] =	vst v63  }
0x62: {  	_ =	swait.ge [sflag:s7], $0x4000  }
0x63: {  	[sflag:s7] =	ssyncset.done $0x0  }
0x64: {  	s26 =	rddreg [dreg:$0x7];
	[sflag:s7] =	ssyncadd.s32 $0xFFFFC000  }
0x65: {  	[tilespmem:s14], [sflag:$0x1] =	stream.linear.gather [hbm4b:s26+s14], $0x80, $0x38;
	[tilespmem:$0x1FD80] =	vst v63  }
0x66: {  	s16 =	rddreg [dreg:$0x11]  }
0x67: {  	[tilespmem:s29], [sflag:$0x4] =	stream.linear.gather [hbm4b:s16+s14], $0x4000, $0x38;
	[tilespmem:$0x1FD80] =	vst v63  }
0x68: {  	_ =	swait.ge [sflag:s8], $0x80  }
0x69: {  	[sflag:s8] =	ssyncset.done $0x0  }
0x6a: {  	[sflag:s8] =	ssyncadd.s32 $0xFFFFFF80  }
0x6b: {  	_ =	swait.ge [sflag:s9], $0x4000  }
0x6c: {  	[sflag:s9] =	ssyncset.done $0x0  }
0x6d: {  	[sflag:s9] =	ssyncadd.s32 $0xFFFFC000  }
0x6e: {  	[spmem:s19] =	stream.indirect.scatter.add.f32 [tilespmem:s4], [sflag:$0x9], $0x80, s3, s31, $0xb8;
	[tilespmem:$0x1FD80] =	vst v63  }
0x6f: {  	_ =	swait.ge [sflag:s10], $0x4000  }
0x70: {  	[sflag:s10] =	ssyncset.done $0x0  }
0x71: {  	s20 =	rddreg [dreg:$0x8];
	[sflag:s10] =	ssyncadd.s32 $0xFFFFC000  }
0x72: {  	[tilespmem:s31], [sflag:$0x2] =	stream.linear.gather [hbm4b:s20+s14], $0x80, $0x38;
	[tilespmem:$0x1FD80] =	vst v63  }
0x73: {  	s21 =	rddreg [dreg:$0x12]  }
0x74: {  	[tilespmem:s17], [sflag:$0x5] =	stream.linear.gather [hbm4b:s21+s14], $0x4000, $0x38;
	[tilespmem:$0x1FD80] =	vst v63  }
0x75: {  	_ =	swait.ge [sflag:s0], $0x80  }
0x76: {  	[sflag:s0] =	ssyncset.done $0x0  }
0x77: {  	[sflag:s0] =	ssyncadd.s32 $0xFFFFFF80  }
0x78: {  	_ =	swait.ge [sflag:s2], $0x4000  }
0x79: {  	[sflag:s2] =	ssyncset.done $0x0  }
0x7a: {  	[sflag:s2] =	ssyncadd.s32 $0xFFFFC000  }
0x7b: {  	[spmem:s19] =	stream.indirect.scatter.add.f32 [tilespmem:s29], [sflag:$0x7], $0x80, s1, s31, $0xb8;
	[tilespmem:$0x1FD80] =	vst v63  }
0x7c: {  	_ =	swait.ge [sflag:s11], $0x4000  }
0x7d: {  	s22 =	sadd.s32 $0x0, s12;
	[sflag:s11] =	ssyncset.done $0x0  }
0x7e: {  	s14 =	sadd.s32 $0xA00, s22;
	[sflag:s11] =	ssyncadd.s32 $0xFFFFC000  }
0x7f: {  	[tilespmem:s3], [sflag:$0x3] =	stream.linear.gather [hbm4b:s14+s1], $0x80, $0x38;
	[tilespmem:$0x1FD80] =	vst v63  }
0x80: {  	s25 =	sadd.s32 $0xFFFE0000, s18  }
0x81: {  	[tilespmem:s4], [sflag:$0x6] =	stream.linear.gather [hbm4b:s25+s1], $0x4000, $0x38;
	[tilespmem:$0x1FD80] =	vst v63  }
0x82: {  	_ =	swait.ge [sflag:s5], $0x80  }
0x83: {  	[sflag:s5] =	ssyncset.done $0x0  }
0x84: {  	[sflag:s5] =	ssyncadd.s32 $0xFFFFFF80  }
0x85: {  	_ =	swait.ge [sflag:s6], $0x4000  }
0x86: {  	[sflag:s6] =	ssyncset.done $0x0  }
0x87: {  	s26 =	sadd.s32 $0xFFFFFFE0, s28;
	[sflag:s6] =	ssyncadd.s32 $0xFFFFC000  }
0x88: {  	[spmem:s19] =	stream.indirect.scatter.add.f32 [tilespmem:s17], [sflag:$0x8], $0x80, s31, s31, $0xb8;
	[tilespmem:$0x1FD80] =	vst v63  }
0x89: {  	p1 =	sgt.u32 s26, $0x9C3;
	_ =	swait.ge [sflag:s7], $0x4000  }
0x8a: {  	s14 =	sadd.s32 @!p1 $0x0, s12;
	[sflag:s7] =	ssyncset.done $0x0  }
0x8b: {  	s15 =	simm.s32 @!p1 $0x0;
	s14 =	sadd.s32 @!p1 $0xC00, s14;
	[sflag:s7] =	ssyncadd.s32 $0xFFFFC000  }
0x8c: {  	[tilespmem:s15], [sflag:$0x1] =	stream.linear.gather @!p1 [hbm4b:s14+s15], $0x80, $0x38;
	[tilespmem:$0x1FD80] =	vst v63  }
0x8d: {  	s16 =	simm.s32 @!p1 $0x180;
	s14 =	sadd.s32 @!p1 $0xFFFF0000, s18  }
0x8e: {  	[tilespmem:s16], [sflag:$0x4] =	stream.linear.gather @!p1 [hbm4b:s14+s15], $0x4000, $0x38;
	[tilespmem:$0x1FD80] =	vst v63  }
0x8f: {  	_ =	swait.ge [sflag:s8], $0x80  }
0x90: {  	[sflag:s8] =	ssyncset.done $0x0  }
0x91: {  	[sflag:s8] =	ssyncadd.s32 $0xFFFFFF80  }
0x92: {  	_ =	swait.ge [sflag:s9], $0x4000  }
0x93: {  	[sflag:s9] =	ssyncset.done $0x0  }
0x94: {  	p2 =	sgt.u32 s28, $0x9C3;
	[sflag:s9] =	ssyncadd.s32 $0xFFFFC000  }
0x95: {  	[spmem:s19] =	stream.indirect.scatter.add.f32 [tilespmem:s4], [sflag:$0x9], $0x80, s3, s31, $0xb8;
	[tilespmem:$0x1FD80] =	vst v63  }
0x96: {  	s26 =	smov.u32 s18;
	s20 =	simm.s32 @!p2 $0x4180;
	_ =	swait.ge [sflag:s10], $0x4000  }
0x97: {  	s25 =	simm.s32 @!p2 $0x0;
	s14 =	sadd.s32 @!p2 $0x0, s12;
	[sflag:s10] =	ssyncset.done $0x0  }
0x98: {  	s15 =	simm.s32 @!p2 $0x80;
	s14 =	sadd.s32 @!p2 $0xE00, s14;
	[sflag:s10] =	ssyncadd.s32 $0xFFFFC000  }
0x99: {  	[tilespmem:s15], [sflag:$0x2] =	stream.linear.gather @!p2 [hbm4b:s14+s25], $0x80, $0x38;
	[tilespmem:$0x1FD80] =	vst v63  }
0x9a: {  	s16 =	sadd.s32 $0x60, s28;
	s14 =	simm.s32 $0x600;
	s15 =	sadd.s32 $0x30000, s18  }
.LBB2_4:
0x9b: {  	[tilespmem:s20], [sflag:$0x5] =	stream.linear.gather @!p2 [hbm4b:s26+s25], $0x4000, $0x38;
	[tilespmem:$0x1FD80] =	vst v63  }
0x9c: {  	s25 =	smov.u32 s14;
	s14 =	sadd.s32 $0x600, s14;
	_ =	swait.ge [sflag:s0], $0x80  }
0x9d: {  	s26 =	smov.u32 s15;
	p1 =	sne.s32 s14, $0x9600;
	[sflag:s0] =	ssyncset.done $0x0  }
0x9e: {  	[sflag:s0] =	ssyncadd.s32 $0xFFFFFF80  }
0x9f: {  	_ =	swait.ge [sflag:s2], $0x4000  }
0xa0: {  	[sflag:s2] =	ssyncset.done $0x0  }
0xa1: {  	[sflag:s2] =	ssyncadd.s32 $0xFFFFC000  }
0xa2: {  	[spmem:s19] =	stream.indirect.scatter.add.f32 [tilespmem:s29], [sflag:$0x7], $0x80, s1, s31, $0xb8;
	[tilespmem:$0x1FD80] =	vst v63  }
0xa3: {  	_ =	swait.ge [sflag:s11], $0x4000  }
0xa4: {  	s20 =	sadd.s32 s25, s12;
	[sflag:s11] =	ssyncset.done $0x0  }
0xa5: {  	s20 =	sadd.s32 $0xA00, s20;
	[sflag:s11] =	ssyncadd.s32 $0xFFFFC000  }
0xa6: {  	[tilespmem:s3], [sflag:$0x3] =	stream.linear.gather [hbm4b:s20+s1], $0x80, $0x38;
	[tilespmem:$0x1FD80] =	vst v63  }
0xa7: {  	s20 =	sadd.s32 $0xFFFE0000, s15  }
0xa8: {  	[tilespmem:s4], [sflag:$0x6] =	stream.linear.gather [hbm4b:s20+s1], $0x4000, $0x38;
	[tilespmem:$0x1FD80] =	vst v63  }
0xa9: {  	_ =	swait.ge [sflag:s5], $0x80  }
0xaa: {  	[sflag:s5] =	ssyncset.done $0x0  }
0xab: {  	[sflag:s5] =	ssyncadd.s32 $0xFFFFFF80  }
0xac: {  	_ =	swait.ge [sflag:s6], $0x4000  }
0xad: {  	[sflag:s6] =	ssyncset.done $0x0  }
0xae: {  	s20 =	sadd.s32 $0xFFFFFFE0, s16;
	[sflag:s6] =	ssyncadd.s32 $0xFFFFC000  }
0xaf: {  	[spmem:s19] =	stream.indirect.scatter.add.f32 [tilespmem:s17], [sflag:$0x8], $0x80, s31, s31, $0xb8;
	[tilespmem:$0x1FD80] =	vst v63  }
0xb0: {  	p2 =	sgt.u32 s20, $0x9C3;
	_ =	swait.ge [sflag:s7], $0x4000  }
0xb1: {  	s20 =	sadd.s32 @!p2 s25, s12;
	[sflag:s7] =	ssyncset.done $0x0  }
0xb2: {  	s21 =	simm.s32 @!p2 $0x0;
	s20 =	sadd.s32 @!p2 $0xC00, s20;
	[sflag:s7] =	ssyncadd.s32 $0xFFFFC000  }
0xb3: {  	[tilespmem:s21], [sflag:$0x1] =	stream.linear.gather @!p2 [hbm4b:s20+s21], $0x80, $0x38;
	[tilespmem:$0x1FD80] =	vst v63  }
0xb4: {  	s22 =	simm.s32 @!p2 $0x180;
	s20 =	sadd.s32 @!p2 $0xFFFF0000, s15  }
0xb5: {  	[tilespmem:s22], [sflag:$0x4] =	stream.linear.gather @!p2 [hbm4b:s20+s21], $0x4000, $0x38;
	[tilespmem:$0x1FD80] =	vst v63  }
0xb6: {  	_ =	swait.ge [sflag:s8], $0x80  }
0xb7: {  	[sflag:s8] =	ssyncset.done $0x0  }
0xb8: {  	[sflag:s8] =	ssyncadd.s32 $0xFFFFFF80  }
0xb9: {  	_ =	swait.ge [sflag:s9], $0x4000  }
0xba: {  	[sflag:s9] =	ssyncset.done $0x0  }
0xbb: {  	[sflag:s9] =	ssyncadd.s32 $0xFFFFC000  }
0xbc: {  	[spmem:s19] =	stream.indirect.scatter.add.f32 [tilespmem:s4], [sflag:$0x9], $0x80, s3, s31, $0xb8;
	[tilespmem:$0x1FD80] =	vst v63  }
.Ltmp1:
0xbd: {  	p2 =	sgt.u32 s16, $0x9C3;
	_ =	swait.ge [sflag:s10], $0x4000;
	(pc) =	sbr.rel @p1 .LBB2_4-.Ltmp1, $4  }
0xbe: {  	s20 =	sadd.s32 @!p2 s25, s12;
	s21 =	simm.s32 @!p2 $0x80;
	[sflag:s10] =	ssyncset.done $0x0  }
0xbf: {  	s25 =	simm.s32 @!p2 $0x0;
	s20 =	sadd.s32 @!p2 $0xE00, s20;
	[sflag:s10] =	ssyncadd.s32 $0xFFFFC000  }
0xc0: {  	[tilespmem:s21], [sflag:$0x2] =	stream.linear.gather @!p2 [hbm4b:s20+s25], $0x80, $0x38;
	[tilespmem:$0x1FD80] =	vst v63  }
0xc1: {  	s15 =	sadd.s32 $0x30000, s15;
	s16 =	sadd.s32 $0x60, s16;
	s20 =	simm.s32 @!p2 $0x4180  }
0xc2: {  	[tilespmem:s20], [sflag:$0x5] =	stream.linear.gather @!p2 [hbm4b:s26+s25], $0x4000, $0x38;
	[tilespmem:$0x1FD80] =	vst v63  }
0xc3: {  	s14 =	simm.s32 @!p0 $0x1  }
0xc4: {  	_ =	swait.ge @!p0 [sflag:s14], $0x80  }
0xc5: {  	[sflag:s14] =	ssyncset.done @!p0 $0x0  }
0xc6: {  	[sflag:s14] =	ssyncadd.s32 @!p0 $0xFFFFFF80;
	s14 =	simm.s32 @!p0 $0x4  }
0xc7: {  	_ =	swait.ge @!p0 [sflag:s14], $0x4000  }
0xc8: {  	s15 =	simm.s32 @!p0 $0x0;
	[sflag:s14] =	ssyncset.done @!p0 $0x0  }
0xc9: {  	s16 =	simm.s32 @!p0 $0x180;
	[sflag:s14] =	ssyncadd.s32 @!p0 $0xFFFFC000;
	s14 =	simm.s32 @!p0 $0x80  }
0xca: {  	[spmem:s19] =	stream.indirect.scatter.add.f32 @!p0 [tilespmem:s16], [sflag:$0x7], $0x80, s15, s14, $0xb8;
	[tilespmem:$0x1FD80] =	vst v63  }
0xcb: {  	s14 =	simm.s32 @!p0 $0x9  }
0xcc: {  	_ =	swait.ge @!p0 [sflag:s14], $0x4000  }
0xcd: {  	s15 =	simm.s32 @!p0 $0x7;
	[sflag:s14] =	ssyncset.done @!p0 $0x0  }
0xce: {  	s15 =	simm.s32 @p0 $0x9;
	[sflag:s14] =	ssyncadd.s32 @!p0 $0xFFFFC000  }
0xcf: {  	_ =	swait.ge [sflag:s15], $0x4000  }
0xd0: {  	[sflag:s15] =	ssyncset.done $0x0  }
0xd1: {  	s21 =	stileid.u32;
	[sflag:s15] =	ssyncadd.s32 $0xFFFFC000  }
0xd2: {  	s22 =	sshrl.u32 s23, $0x3;
	s14 =	sshll.u32 s21, $0x6;
	[bflag:$0x0] =	sbarrier.arrive $0xFFFF  }
0xd3: {  	s21 =	smov.u32 s23;
	s14 =	sor.u32 $0x1C0A, s14;
	s23 =	rddreg [dreg:$0x9]  }
0xd4: {  	[hbm:s23], [sflag:s14] =	dma.local [spmem:s22], $0x800  }
0xd5: {  	_ =	swait.ge [sflag:s30], $0x800  }
0xd6: {  	[sflag:s30] =	ssyncset.done $0x0  }
0xd7: {  	s25 =	sshrl.u32 s24, $0x3;
	s26 =	rddreg [dreg:$0xa];
	[sflag:s30] =	ssyncadd.s32 $0xFFFFF800  }
0xd8: {  	[hbm:s26], [sflag:s14] =	dma.local [spmem:s25], $0x800  }
0xd9: {  	_ =	swait.ge [sflag:s30], $0x800  }
0xda: {  	[sflag:s30] =	ssyncset.done $0x0;
	s25 =	rddreg [dreg:$0x13]  }
0xdb: {  	s20 =	rddreg [dreg:$0xb];
	[sflag:s30] =	ssyncadd.s32 $0xFFFFF800;
	s16 =	sshrl.u32 s25, $0x3  }
0xdc: {  	[hbm:s20], [sflag:s14] =	dma.local [spmem:s16], $0x800  }
0xdd: {  	_ =	swait.ge [sflag:s30], $0x800  }
0xde: {  	s22 =	smov.u32 s24;
	[sflag:s30] =	ssyncset.done $0x0;
	s26 =	rddreg [dreg:$0x14]  }
0xdf: {  	s24 =	rddreg [dreg:$0xc];
	[sflag:s30] =	ssyncadd.s32 $0xFFFFF800;
	s23 =	sshrl.u32 s26, $0x3  }
0xe0: {  	[hbm:s24], [sflag:s14] =	dma.local [spmem:s23], $0x800  }
0xe1: {  	_ =	swait.ge [sflag:s30], $0x800  }
0xe2: {  	[sflag:s30] =	ssyncset.done $0x0;
	s20 =	rddreg [dreg:$0x15]  }
0xe3: {  	s23 =	rddreg [dreg:$0xd];
	[sflag:s30] =	ssyncadd.s32 $0xFFFFF800;
	s15 =	sshrl.u32 s20, $0x3  }
0xe4: {  	[hbm:s23], [sflag:s14] =	dma.local [spmem:s15], $0x780  }
0xe5: {  	_ =	swait.ge [sflag:s30], $0x780  }
0xe6: {  	s13 =	sadd.s32 $0x1, s13;
	s24 =	rddreg [dreg:$0x16]  }
0xe7: {  	p1 =	sne.s32 s13, s24  }
.Ltmp2:
0xe8: {  	_ = 	snop;
	(pc) =	sbr.rel @p1 .LBB2_1-.Ltmp2, $3  }
0xe9: {  	_ =	sdelay $0x1  }
0xea: {  	[sflag:s30] =	ssyncset.done $0x0  }
0xeb: {  	[sflag:s30] =	ssyncadd.s32 $0xFFFFF880  }
0xec: {  	_ =	sfence.sel $0x180000  }
0xed: {  	[bflag:$0x0] =	sbarrier.arrive $0xFFFF  }
0xee: {  	_ =	strace $0x9000004A  }
0xef: {  	s0 =	stileid.u32;
	[bflag:$0x2] =	sbarrier.arrive $0xFFFF  }
0xf0: {  	p0 =	sne.s32 s0, $0x0;
	s0 =	rddreg [dreg:$0x3]  }
0xf1: {  	s0 =	sadd.s32 @!p0 $0x100000, s0  }
0xf2: {  	[sflag:s0] =	ssyncadd.tile.s32 @!p0 $0x1;
	_ =	shalt  }
.Lfunc_end2:
_tile_overlayer_lowered:
.L_overlay_start_2:
0xf3: {  	(tag) =	ssettag $0x2  }
0xf4: {  	s0 =	rddreg [dreg:$0x0];
	s2 =	stileid.u32  }
0xf5: {  	s1 =	rddreg [dreg:$0x1];
	p0 =	sne.s32 s2, $0x0  }
0xf6: {  	s3 =	rddreg [dreg:$0x2];
	[bflag:$0x3] =	sbarrier.arrive $0xFFFF;
	s2 =	simm.s32 @!p0 $0x1C0A  }
0xf7: {  	[timem:s3], [sflag:s2] =	dma.local @!p0 [hbm:s0], s1  }
0xf8: {  	s0 =	simm.s32 @!p0 $0xA  }
0xf9: {  	_ =	swait.ge @!p0 [sflag:s0], s1  }
0xfa: {  	s1 =	ssub.s32 @!p0 $0x0, s1;
	[sflag:s0] =	ssyncset.done @!p0 $0x0  }
0xfb: {  	[sflag:s0] =	ssyncadd.s32 @!p0 s1  }
0xfc: {  	[bflag:$0x3] =	sbarrier.arrive $0xFFFF  }
0xfd: {  	_ =	shalt  }

// kernel: kernel.7.cloned.1.call-start
scs
__scs_entry_jumppad:
0x0: {  	(pc) =	sbr.rel $0x88, $3  }
0x1: {  	(tag) =	ssettag $0x0;
	lr =	simm.s32 $0x1  }
0x2: {  	[smem:$0x3F91] =	sst lr;
	_ =	strace $0xD0000000  }
0x3: {  	_ = 	snop  }
0x4: {  	_ = 	snop  }
0x5: {  	_ = 	snop  }
0x6: {  	_ = 	snop  }
0x7: {  	_ = 	snop  }
__scs_overlays_trampoline_lowered:
0x8: {  	[smem:$0x3FA0] =	sst s0  }
0x9: {  	[smem:$0x3FA1] =	sst s1  }
0xa: {  	[smem:$0x3FA2] =	sst s2  }
0xb: {  	[smem:$0x3FA3] =	sst s3  }
0xc: {  	[smem:$0x3FA4] =	sst s4  }
0xd: {  	[smem:$0x3FA5] =	sst s5  }
0xe: {  	[smem:$0x3FA6] =	sst s6  }
0xf: {  	[smem:$0x3FA7] =	sst s7  }
0x10: {  	[smem:$0x3FA8] =	sst s8  }
0x11: {  	[smem:$0x3FA9] =	sst s9;
	s0 =	simm.s32 @!p0 $0x0  }
0x12: {  	s1 =	sld [smem:$0x3F8F];
	s0 =	simm.s32 @p0 $0x1  }
0x13: {  	[smem:$0x3FAA] =	sst s0;
	s0 =	simm.s32 @!p1 $0x0  }
0x14: {  	s2 =	sld [smem:$0x3F8E];
	s0 =	simm.s32 @p1 $0x1  }
0x15: {  	[smem:$0x3FAB] =	sst s0;
	s0 =	simm.s32 @!p2 $0x0  }
0x16: {  	s3 =	sld [smem:$0x3FDB];
	s0 =	simm.s32 @p2 $0x1  }
0x17: {  	s4 =	simm.s32 $0x1BF5;
	[smem:$0x3FAD] =	sst s0  }
0x18: {  	s0 =	sld [smem:$0x3F90];
	_ =	swait.ge [sflag:s4], $0x0  }
0x19: {  	s7 =	sld [smem:$0x3F91]  }
0x1a: {  	s8 =	sadd.s32 $0xFFFFE003, lr  }
0x1b: {  	s9 =	sadd.s32 $0xFFFFFEF7, lr;
	s5 =	simm.s32 $0xFFFFFFFF;
	p2 =	slt.u32 s8, $0xFFFFF086  }
0x1c: {  	p1 =	slt.u32 s9, $0xF7A;
	s5 =	simm.s32 @!p2 $0x0  }
0x1d: {  	s5 =	simm.s32 @p1 $0x1;
	p0 =	seq.s32 s7, s2  }
0x1e: {  	s7 =	smul.u32 @!p0 $0xF7A, s2;
	p2 =	seq.s32 @!p0 s5, $0x0  }
0x1f: {  	s9 =	smul.u32 $0xF7A, s1;
	s8 =	simm.s32 @!p0 $0x1BF5;
	p2 =	por !p2, p0  }
0x20: {  	[sflag:s8] =	ssyncset.s32 @!p0 $0xFFFFF086;
	s6 =	sadd.s32 @!p0 s3, s7;
	s7 =	simm.s32 @!p0 $0x108  }
0x21: {  	s3 =	sadd.s32 s3, s9;
	s6 =	sadd.s32 @!p0 $0x88, s6;
	s7 =	simm.s32 @p2 $0x1082  }
0x22: {  	[simem:s7], [sflag:s8] =	dma.local @!p0 [hbm:s6], $0xF7A  }
0x23: {  	s9 =	sor.u32 $0xD0000000, s2;
	s6 =	simm.s32 $0x108;
	_ =	swait.ge @!p0 [sflag:s8], $0x0  }
0x24: {  	s3 =	sadd.s32 $0x88, s3;
	s6 =	simm.s32 @!p1 $0x1082;
	[sflag:s4] =	ssyncset.s32 $0xFFFFF086  }
0x25: {  	[simem:s6], [sflag:s4] =	dma.local [hbm:s3], $0xF7A  }
0x26: {  	[smem:$0x3F91] =	sst s1;
	(tag) =	ssettag s2;
	_ =	strace s9  }
0x27: {  	s1 =	sld [smem:$0x3FA1]  }
0x28: {  	s2 =	sld [smem:$0x3FA2]  }
0x29: {  	s4 =	sld [smem:$0x3FA4]  }
0x2a: {  	p0 =	seq.s32 s5, $0x0;
	s5 =	sld [smem:$0x3FA5]  }
0x2b: {  	s6 =	sld [smem:$0x3FA6]  }
0x2c: {  	s7 =	sld [smem:$0x3FA7]  }
0x2d: {  	s3 =	simm.s32 $0x108;
	s8 =	sld [smem:$0x3FA8]  }
0x2e: {  	s3 =	simm.s32 @!p0 $0x1082;
	s9 =	sld [smem:$0x3FA9]  }
0x2f: {  	lr =	sadd.s32 s0, s3;
	s0 =	sld [smem:$0x3FA0]  }
0x30: {  	s3 =	sld [smem:$0x3FA3]  }
0x31: {  	[smem:$0x3FAC] =	sst s10  }
0x32: {  	s10 =	sld [smem:$0x3FAA];
	_ =	sdelay $0x3  }
0x33: {  	p0 =	seq.s32 s10, $0x1;
	s10 =	sld [smem:$0x3FAC];
	_ =	sdelay $0x3  }
0x34: {  	[smem:$0x3FAC] =	sst s10  }
0x35: {  	s10 =	sld [smem:$0x3FAB];
	_ =	sdelay $0x3  }
0x36: {  	p1 =	seq.s32 s10, $0x1;
	s10 =	sld [smem:$0x3FAC];
	_ =	sdelay $0x3  }
0x37: {  	[smem:$0x3FAC] =	sst s10  }
0x38: {  	s10 =	sld [smem:$0x3FAD]  }
0x39: {  	_ = 	snop;
	(pc) =	sbr.ind lr, $3  }
0x3a: {  	_ = 	snop  }
0x3b: {  	_ = 	snop  }
0x3c: {  	p2 =	seq.s32 s10, $0x1;
	s10 =	sld [smem:$0x3FAC]  }
0x3d: {  	_ =	shalt  }
0x3e: {  	_ =	shalt  }
0x3f: {  	_ =	shalt  }
0x40: {  	_ =	shalt  }
0x41: {  	_ =	shalt  }
0x42: {  	_ =	shalt  }
0x43: {  	_ =	shalt  }
0x44: {  	_ =	shalt  }
0x45: {  	_ =	shalt  }
0x46: {  	_ =	shalt  }
0x47: {  	_ =	shalt  }
0x48: {  	_ =	shalt  }
0x49: {  	_ =	shalt  }
0x4a: {  	_ =	shalt  }
0x4b: {  	_ =	shalt  }
0x4c: {  	_ =	shalt  }
0x4d: {  	_ =	shalt  }
0x4e: {  	_ =	shalt  }
0x4f: {  	_ =	shalt  }
0x50: {  	_ =	shalt  }
0x51: {  	_ =	shalt  }
0x52: {  	_ =	shalt  }
0x53: {  	_ =	shalt  }
0x54: {  	_ =	shalt  }
0x55: {  	_ =	shalt  }
0x56: {  	_ =	shalt  }
0x57: {  	_ =	shalt  }
0x58: {  	_ =	shalt  }
0x59: {  	_ =	shalt  }
0x5a: {  	_ =	shalt  }
0x5b: {  	_ =	shalt  }
0x5c: {  	_ =	shalt  }
0x5d: {  	_ =	shalt  }
0x5e: {  	_ =	shalt  }
0x5f: {  	_ =	shalt  }
0x60: {  	_ =	shalt  }
0x61: {  	_ =	shalt  }
0x62: {  	_ =	shalt  }
0x63: {  	_ =	shalt  }
0x64: {  	_ =	shalt  }
0x65: {  	_ =	shalt  }
0x66: {  	_ =	shalt  }
0x67: {  	_ =	shalt  }
0x68: {  	_ =	shalt  }
0x69: {  	_ =	shalt  }
0x6a: {  	_ =	shalt  }
0x6b: {  	_ =	shalt  }
0x6c: {  	_ =	shalt  }
0x6d: {  	_ =	shalt  }
0x6e: {  	_ =	shalt  }
0x6f: {  	_ =	shalt  }
0x70: {  	_ =	shalt  }
0x71: {  	_ =	shalt  }
0x72: {  	_ =	shalt  }
0x73: {  	_ =	shalt  }
0x74: {  	_ =	shalt  }
0x75: {  	_ =	shalt  }
0x76: {  	_ =	shalt  }
0x77: {  	_ =	shalt  }
0x78: {  	_ =	shalt  }
0x79: {  	_ =	shalt  }
0x7a: {  	_ =	shalt  }
0x7b: {  	_ =	shalt  }
0x7c: {  	_ =	shalt  }
0x7d: {  	_ =	shalt  }
0x7e: {  	_ =	shalt  }
0x7f: {  	_ =	shalt  }
0x80: {  	_ =	shalt  }
0x81: {  	_ =	shalt  }
0x82: {  	_ =	shalt  }
0x83: {  	_ =	shalt  }
0x84: {  	_ =	shalt  }
0x85: {  	_ =	shalt  }
0x86: {  	_ =	shalt  }
0x87: {  	_ =	shalt  }
.Lfunc_end0:
.L_simem_size_0:
called_computation_lowered:
.L_overlay_start_0:
0x88: {  	s2 =	sld [smem:$0x3FD9]  }
0x89: {  	s3 =	sld [smem:$0x3FFE];
	_ =	sdelay $0x1  }
0x8a: {  	s1 =	srdreg.scid  }
0x8b: {  	s0 =	sand.u32 $0x1, s1  }
0x8c: {  	s14 =	sshll.u32 s0, $0xA;
	s2 =	sadd.s32 s3, s2  }
0x8d: {  	s2 =	sadd.s32 s2, s14  }
0x8e: {  	[smem:$0x3FB8] =	sst s2  }
0x8f: {  	_ = 	snop  }
0x90: {  	s2 =	sld [smem:$0x3FD0];
	_ =	sdelay $0x2  }
0x91: {  	s15 =	simm.s32 $0xA;
	s4 =	simm.s32 $0x10  }
0x92: {  	[smem:s4], [sflag:s15] =	dma.local [hbm:s2], $0x1  }
0x93: {  	_ =	swait.eq [sflag:s15], $0x1  }
0x94: {  	[sflag:s15] =	ssyncset.done $0x0  }
0x95: {  	s16 =	sld [smem:$0x10];
	[sflag:s15] =	ssyncadd.s32 $0xFFFFFFFF  }
0x96: {  	s17 =	sld [smem:$0x11];
	(tm) =	ssettm $0x1  }
0x97: {  	s18 =	sld [smem:$0x3FFB];
	_ =	sdelay $0x3  }
0x98: {  	_ =	strace s18  }
0x99: {  	s4 =	sld [smem:$0x3FFC];
	_ =	sdelay $0x3  }
0x9a: {  	_ =	strace s4  }
0x9b: {  	s4 =	sld [smem:$0x3FFD];
	_ =	sdelay $0x3  }
0x9c: {  	_ =	strace s4  }
0x9d: {  	_ =	strace $0x8FFFFFFF  }
0x9e: {  	s19 =	sld [smem:$0x3FDB];
	_ =	sdelay $0x1  }
0x9f: {  	s5 =	simm.s32 $_scs_section_size  }
0xa0: {  	s6 =	simm.s32 $_size__tile_overlayer_lowered;
	s7 =	simm.s32 $_tile_overlayer_lowered  }
0xa1: {  	s22 =	simm.s32 $0x1BFF;
	s21 =	sshll.u32 s7, $0x1;
	s4 =	sadd.s32 s5, s19  }
0xa2: {  	s8 =	simm.s32 $0x0;
	s20 =	sshll.u32 s6, $0x1;
	s6 =	sadd.s32 s21, s4  }
0xa3: {  	[timem:s8], [sflag:s22] =	dma.local [hbm:s6], s20  }
0xa4: {  	_ =	swait.ge [sflag:s22], s20  }
0xa5: {  	s5 =	ssub.s32 $0x0, s20;
	[sflag:s22] =	ssyncset.done $0x0  }
0xa6: {  	[sflag:s22] =	ssyncadd.s32 s5;
	_ =	sdelay $0x1  }
0xa7: {  	s23 =	simm.s32 $0x1B8B  }
0xa8: {  	_ =	swait.ge [sflag:s23], $0x1  }
0xa9: {  	[sflag:s23] =	ssyncset.done $0x0  }
0xaa: {  	s25 =	simm.s32 $0x1B8E;
	s24 =	sld [smem:$0x3FFE];
	[sflag:s23] =	ssyncadd.s32 $0xFFFFFFFF  }
0xab: {  	s26 =	simm.s32 $execute0_lowered;
	[smem:$0x3FD2] =	sst s25  }
0xac: {  	s6 =	sshll.u32 s26, $0x1;
	_ =	strace $0x80000046;
	[dreg:$0x1] =	wrdreg $0xFFFFFFFF  }
0xad: {  	s28 =	simm.s32 $_size_execute0_lowered;
	s4 =	sadd.s32 s4, s6;
	[dreg:$0x0] =	wrdreg $0x0  }
0xae: {  	s6 =	sshll.u32 s28, $0x1;
	[dreg:$0x2] =	wrdreg s4  }
0xaf: {  	[dreg:$0x3] =	wrdreg s6  }
0xb0: {  	[dreg:$0x4] =	wrdreg $0xC0  }
0xb1: {  	_ =	task [dreg:s8], $0x5FFFF  }
0xb2: {  	[dreg:$0x1] =	wrdreg $0xFFFFFFFF  }
0xb3: {  	[dreg:$0x0] =	wrdreg $0x60  }
0xb4: {  	[dreg:$0x2] =	wrdreg s16  }
0xb5: {  	[dreg:$0x3] =	wrdreg s17  }
0xb6: {  	[dreg:$0x4] =	wrdreg s24  }
0xb7: {  	[dreg:$0x5] =	wrdreg $0x81000  }
0xb8: {  	[dreg:$0x6] =	wrdreg $0x9  }
0xb9: {  	_ =	task.clear_ibuf [dreg:s8], $0x7FFFF;
	_ =	strace $0x90000046  }
0xba: {  	s29 =	simm.s32 $0x9;
	_ =	strace $0x80000048  }
0xbb: {  	_ =	swait.ge [sflag:s29], $0x1  }
0xbc: {  	[sflag:s29] =	ssyncadd.s32 $0xFFFFFFFF  }
0xbd: {  	_ =	strace $0x90000048  }
0xbe: {  	_ =	sfence  }
0xbf: {  	s30 =	sld [smem:$0x0];
	_ =	sdelay $0x2  }
0xc0: {  	s31 =	sshll.u32 s1, $0xD;
	s1 =	sshrl.u32 s1, $0x2  }
0xc1: {  	s3 =	sand.u32 $0x4000, s31;
	s1 =	sadd.s32 s1, s30  }
0xc2: {  	s0 =	sor.u32 s3, s0;
	s1 =	sshll.u32 s1, $0x11  }
0xc3: {  	s0 =	sor.u32 s1, s0  }
0xc4: {  	s0 =	sadd.s32 $0x8F2B, s0  }
0xc5: {  	[sflag:s0] =	ssyncadd.remote.s32 $0x1  }
0xc6: {  	_ =	sfence.sel $0xFFFF  }
0xc7: {  	[dreg:$0x0] =	wrdreg $0xFFFFFFFF;
	(pc) =	sbr.abs _section_cstart, $3  }
0xc8: {  	[dreg:$0x1] =	wrdreg $0xFFFFFFFF  }
0xc9: {  	_ =	task.clear_ibuf [dreg:s8], $0x2FFFF;
	_ =	strace $0x9FFFFFFF  }
0xca: {  	(tm) =	ssettm $0x7FFFFFFF  }
0xcb: {  	_ =	shalt  }
tec
execute0_lowered:
.L_overlay_start_1:
0x0: {  	(tag) =	ssettag $0x1  }
0x1: {  	s0 =	rddreg [dreg:$0x0]  }
0x2: {  	s6 =	rddreg [dreg:$0x1]  }
0x3: {  	s7 =	rddreg [dreg:$0x2]  }
0x4: {  	s2 =	rddreg [dreg:$0x3];
	s4 =	srdreg.scid;
	s3 =	simm.s32 $0x0  }
0x5: {  	s1 =	stileid.u32;
	s28 =	simm.s32 $0x4;
	s29 =	simm.s32 $0x5  }
0x6: {  	s30 =	simm.s32 $0x6;
	s31 =	simm.s32 $0x0;
	s8 =	smul.u32 $0x4F000, s1  }
0x7: {  	s9 =	sand.u32 $0x1, s4;
	[smem:$0x7FF] =	sst s3;
	s11 =	smul.u32 $0x2780, s1  }
0x8: {  	s4 =	sadd.s32 $0x18000, s7;
	s20 =	sadd.s32 $0x25080, s6;
	s22 =	sshll.u32 s1, $0x4  }
0x9: {  	s23 =	sor.u32 $0x10, s1;
	s24 =	sshll.u32 s1, $0xE;
	p4 =	seq.s32 s1, $0xF  }
0xa: {  	s5 =	ssub.s32 $0x2, s9;
	_ =	strace $0x80000047;
	p3 =	seq.s32 s9, $0x1  }
0xb: {  	[dreg:$0x8] =	wrdreg s20;
	p0 =	seq.s32 s9, $0x0;
	s21 =	smul.u32 $0x2780000, s9  }
0xc: {  	s15 =	sshll.u32 s23, $0x4;
	s9 =	sshll.u32 s23, $0xE;
	s23 =	simm.s32 $0x100  }
0xd: {  	s10 =	sshrl.u32 s5, $0x1;
	s17 =	sshrl.u32 s8, $0x2;
	s18 =	sadd.s32 s0, s11  }
0xe: {  	s19 =	sadd.s32 s6, s11;
	s8 =	sadd.s32 $0x128400, s2;
	s0 =	sadd.s32 $0x25080, s0  }
0xf: {  	p1 =	por p3, !p4;
	p2 =	por !p3, p4;
	[dreg:$0x5] =	wrdreg s18  }
0x10: {  	s13 =	ssub.s32 s5, s10;
	s5 =	sadd.s32 s17, s2;
	[dreg:$0x6] =	wrdreg s19  }
0x11: {  	[dreg:$0x7] =	wrdreg s0;
	s18 =	sor.u32 s24, s21;
	s0 =	sor.u32 s21, s9  }
0x12: {  	s9 =	simm.s32 $0x4000;
	s21 =	simm.s32 $0x1;
	s24 =	simm.s32 $0x3  }
0x13: {  	s11 =	sshrl.u32 s18, $0x3;
	s0 =	sshrl.u32 s0, $0x3;
	s9 =	simm.s32 @!p0 $0xE000  }
0x14: {  	s13 =	smax.u32 s13, $0x1;
	s26 =	sadd.s32 $0xC0000, s18;
	s18 =	sadd.s32 $0x80000, s18  }
0x15: {  	p0 =	por !p3, !p4;
	p3 =	por p3, p4;
	s11 =	sadd.s32 s4, s11  }
0x16: {  	s12 =	sadd.s32 s4, s0;
	s25 =	sadd.s32 s9, s7;
	s0 =	sshrl.u32 s26, $0x3  }
0x17: {  	s26 =	simm.s32 $0x4100;
	s14 =	sadd.s32 s25, s22;
	s15 =	sadd.s32 s25, s15  }
0x18: {  	s19 =	sadd.s32 s0, s4;
	s22 =	simm.s32 $0x80;
	s25 =	simm.s32 $0x2  }
0x19: {  	s16 =	sadd.s32 $0x200, s14;
	s17 =	sadd.s32 $0x300, s14;
	s20 =	sadd.s32 $0x500, s14  }
.LBB2_1:
0x1a: {  	s0 =	sshrl.u32 @!p0 s8, $0x3;
	s6 =	simm.s32 @!p0 $0x1FC7;
	s7 =	rddreg [dreg:$0x8]  }
0x1b: {  	[spmem:s0], [sflag:s6] =	dma.local @!p0 [hbm:s7], $0x2080  }
0x1c: {  	s0 =	simm.s32 @!p0 $0x7  }
0x1d: {  	_ =	swait.ge @!p0 [sflag:s0], $0x2080  }
0x1e: {  	s6 =	simm.s32 @!p1 $0x1FC7;
	[sflag:s0] =	ssyncset.done @!p0 $0x0  }
0x1f: {  	s7 =	rddreg [dreg:$0x7];
	[sflag:s0] =	ssyncadd.s32 @!p0 $0xFFFFDF80;
	s0 =	sshrl.u32 @!p1 s8, $0x3  }
0x20: {  	[spmem:s0], [sflag:s6] =	dma.local @!p1 [hbm:s7], $0x2080  }
0x21: {  	s0 =	simm.s32 @!p1 $0x7  }
0x22: {  	_ =	swait.ge @!p1 [sflag:s0], $0x2080  }
0x23: {  	s6 =	sshll.u32 @!p2 s1, $0x6;
	[sflag:s0] =	ssyncset.done @!p1 $0x0;
	s7 =	rddreg [dreg:$0x6]  }
0x24: {  	[sflag:s0] =	ssyncadd.s32 @!p1 $0xFFFFDF80;
	s0 =	sor.u32 @!p2 $0x1C07, s6;
	s6 =	sshrl.u32 @!p2 s5, $0x3  }
0x25: {  	[spmem:s6], [sflag:s0] =	dma.local @!p2 [hbm:s7], $0x2780  }
0x26: {  	s0 =	simm.s32 @!p2 $0x7  }
0x27: {  	_ =	swait.ge @!p2 [sflag:s0], $0x2780  }
0x28: {  	s6 =	sshll.u32 @!p3 s1, $0x6;
	[sflag:s0] =	ssyncset.done @!p2 $0x0;
	s7 =	rddreg [dreg:$0x5]  }
0x29: {  	[sflag:s0] =	ssyncadd.s32 @!p2 $0xFFFFD880;
	s0 =	sor.u32 @!p3 $0x1C07, s6;
	s6 =	sshrl.u32 @!p3 s5, $0x3  }
0x2a: {  	[spmem:s6], [sflag:s0] =	dma.local @!p3 [hbm:s7], $0x2780  }
0x2b: {  	s0 =	simm.s32 @!p3 $0x7  }
0x2c: {  	_ =	swait.ge @!p3 [sflag:s0], $0x2780  }
0x2d: {  	[sflag:s0] =	ssyncset.done @!p3 $0x0  }
0x2e: {  	[sflag:s0] =	ssyncadd.s32 @!p3 $0xFFFFD880  }
0x2f: {  	[bflag:$0x0] =	sbarrier.arrive $0xFFFF  }
0x30: {  	[tilespmem:s3], [sflag:$0x1] =	stream.linear.gather [hbm4b:s14+s3], $0x80, $0x38;
	[tilespmem:$0x1B980] =	vst v63  }
0x31: {  	_ =	swait.ge [sflag:s21], $0x80  }
0x32: {  	[sflag:s21] =	ssyncset.done $0x0  }
0x33: {  	[sflag:s21] =	ssyncadd.s32 $0xFFFFFF80  }
0x34: {  	[tilespmem:s23], [sflag:$0x3] =	stream.indirect.gather [spmem:s2], $0x80, s3, s22, $0xb8;
	[tilespmem:$0x1B980] =	vst v63  }
0x35: {  	_ = 	snop  }
0x36: {  	[tilespmem:s22], [sflag:$0x2] =	stream.linear.gather [hbm4b:s15+s3], $0x80, $0x38;
	[tilespmem:$0x1B980] =	vst v63  }
0x37: {  	_ =	swait.ge [sflag:s24], $0x4000  }
0x38: {  	[sflag:s24] =	ssyncset.done $0x0  }
0x39: {  	[sflag:s24] =	ssyncadd.s32 $0xFFFFC000  }
0x3a: {  	[tilespmem:s3], [sflag:$0x1] =	stream.linear.gather [hbm4b:s16+s3], $0x80, $0x38;
	[tilespmem:$0x1B980] =	vst v63  }
0x3b: {  	_ =	swait.ge [sflag:s25], $0x80  }
0x3c: {  	[sflag:s25] =	ssyncset.done $0x0  }
0x3d: {  	[sflag:s25] =	ssyncadd.s32 $0xFFFFFF80  }
0x3e: {  	[tilespmem:s26], [sflag:$0x4] =	stream.indirect.gather [spmem:s2], $0x80, s22, s22, $0xb8;
	[tilespmem:$0x1B980] =	vst v63  }
0x3f: {  	_ = 	snop  }
0x40: {  	[hbm4b:s11+s3] =	stream.linear.scatter [tilespmem:s23], [sflag:$0x5], $0x4000, $0x38;
	[tilespmem:$0x1B980] =	vst v63  }
0x41: {  	_ =	swait.ge [sflag:s28], $0x4000  }
0x42: {  	[sflag:s28] =	ssyncset.done $0x0  }
0x43: {  	[sflag:s28] =	ssyncadd.s32 $0xFFFFC000  }
0x44: {  	[tilespmem:s22], [sflag:$0x2] =	stream.linear.gather [hbm4b:s17+s3], $0x80, $0x38;
	[tilespmem:$0x1B980] =	vst v63  }
0x45: {  	_ =	swait.ge [sflag:s21], $0x80  }
0x46: {  	[sflag:s21] =	ssyncset.done $0x0  }
0x47: {  	[sflag:s21] =	ssyncadd.s32 $0xFFFFFF80  }
0x48: {  	_ =	swait.ge [sflag:s29], $0x4000  }
0x49: {  	[sflag:s29] =	ssyncset.done $0x0  }
0x4a: {  	[sflag:s29] =	ssyncadd.s32 $0xFFFFC000  }
0x4b: {  	[tilespmem:s23], [sflag:$0x3] =	stream.indirect.gather [spmem:s2], $0x80, s3, s22, $0xb8;
	[tilespmem:$0x1B980] =	vst v63  }
0x4c: {  	_ = 	snop  }
0x4d: {  	[hbm4b:s12+s3] =	stream.linear.scatter [tilespmem:s26], [sflag:$0x6], $0x4000, $0x38;
	[tilespmem:$0x1B980] =	vst v63  }
0x4e: {  	_ =	swait.ge [sflag:s24], $0x4000  }
0x4f: {  	[sflag:s24] =	ssyncset.done $0x0  }
0x50: {  	s9 =	sadd.s32 $0xFFFFFF00, s20;
	[sflag:s24] =	ssyncadd.s32 $0xFFFFC000  }
0x51: {  	[tilespmem:s3], [sflag:$0x1] =	stream.linear.gather [hbm4b:s9+s3], $0x80, $0x38;
	[tilespmem:$0x1B980] =	vst v63  }
0x52: {  	_ =	swait.ge [sflag:s25], $0x80  }
0x53: {  	[sflag:s25] =	ssyncset.done $0x0  }
0x54: {  	[sflag:s25] =	ssyncadd.s32 $0xFFFFFF80  }
0x55: {  	_ =	swait.ge [sflag:s30], $0x4000  }
0x56: {  	[sflag:s30] =	ssyncset.done $0x0  }
0x57: {  	s10 =	sshrl.u32 s18, $0x3;
	[sflag:s30] =	ssyncadd.s32 $0xFFFFC000  }
0x58: {  	[tilespmem:s26], [sflag:$0x4] =	stream.indirect.gather [spmem:s2], $0x80, s22, s22, $0xb8;
	[tilespmem:$0x1B980] =	vst v63  }
0x59: {  	s0 =	sadd.s32 s4, s10  }
0x5a: {  	[hbm4b:s0+s3] =	stream.linear.scatter [tilespmem:s23], [sflag:$0x5], $0x4000, $0x38;
	[tilespmem:$0x1B980] =	vst v63  }
0x5b: {  	_ =	swait.ge [sflag:s28], $0x4000  }
0x5c: {  	[sflag:s28] =	ssyncset.done $0x0  }
0x5d: {  	[sflag:s28] =	ssyncadd.s32 $0xFFFFC000  }
0x5e: {  	[tilespmem:s22], [sflag:$0x2] =	stream.linear.gather [hbm4b:s20+s3], $0x80, $0x38;
	[tilespmem:$0x1B980] =	vst v63  }
0x5f: {  	_ =	swait.ge [sflag:s21], $0x80  }
0x60: {  	[sflag:s21] =	ssyncset.done $0x0  }
0x61: {  	[sflag:s21] =	ssyncadd.s32 $0xFFFFFF80  }
0x62: {  	_ =	swait.ge [sflag:s29], $0x4000  }
0x63: {  	s6 =	sadd.s32 $0x80000, s18;
	s7 =	sadd.s32 $0x200, s20;
	[sflag:s29] =	ssyncset.done $0x0  }
0x64: {  	s9 =	sadd.s32 $0x0, s19;
	s0 =	simm.s32 $0x10000;
	[sflag:s29] =	ssyncadd.s32 $0xFFFFC000  }
0x65: {  	[tilespmem:s23], [sflag:$0x3] =	stream.indirect.gather [spmem:s2], $0x80, s3, s22, $0xb8;
	[tilespmem:$0x1B980] =	vst v63  }
.LBB2_2:
0x66: {  	[hbm4b:s9+s3] =	stream.linear.scatter [tilespmem:s26], [sflag:$0x6], $0x4000, $0x38;
	[tilespmem:$0x1B980] =	vst v63  }
0x67: {  	s9 =	smov.u32 s0  }
0x68: {  	p4 =	sne.s32 s0, $0x4D0000;
	s0 =	sadd.s32 $0x10000, s0;
	_ =	swait.ge [sflag:s24], $0x4000  }
0x69: {  	[sflag:s24] =	ssyncset.done $0x0  }
0x6a: {  	s10 =	sadd.s32 $0xFFFFFF00, s7;
	[sflag:s24] =	ssyncadd.s32 $0xFFFFC000  }
0x6b: {  	[tilespmem:s3], [sflag:$0x1] =	stream.linear.gather [hbm4b:s10+s3], $0x80, $0x38;
	[tilespmem:$0x1B980] =	vst v63  }
0x6c: {  	_ =	swait.ge [sflag:s25], $0x80  }
0x6d: {  	[sflag:s25] =	ssyncset.done $0x0  }
0x6e: {  	[sflag:s25] =	ssyncadd.s32 $0xFFFFFF80  }
0x6f: {  	_ =	swait.ge [sflag:s30], $0x4000  }
0x70: {  	[sflag:s30] =	ssyncset.done $0x0  }
0x71: {  	s10 =	sshrl.u32 s6, $0x3;
	[sflag:s30] =	ssyncadd.s32 $0xFFFFC000  }
0x72: {  	[tilespmem:s26], [sflag:$0x4] =	stream.indirect.gather [spmem:s2], $0x80, s22, s22, $0xb8;
	[tilespmem:$0x1B980] =	vst v63  }
0x73: {  	s10 =	sadd.s32 s4, s10  }
0x74: {  	[hbm4b:s10+s3] =	stream.linear.scatter [tilespmem:s23], [sflag:$0x5], $0x4000, $0x38;
	[tilespmem:$0x1B980] =	vst v63  }
0x75: {  	_ =	swait.ge [sflag:s28], $0x4000  }
0x76: {  	[sflag:s28] =	ssyncset.done $0x0  }
0x77: {  	[sflag:s28] =	ssyncadd.s32 $0xFFFFC000  }
0x78: {  	[tilespmem:s22], [sflag:$0x2] =	stream.linear.gather [hbm4b:s7+s3], $0x80, $0x38;
	[tilespmem:$0x1B980] =	vst v63  }
0x79: {  	_ =	swait.ge [sflag:s21], $0x80  }
0x7a: {  	[sflag:s21] =	ssyncset.done $0x0  }
0x7b: {  	[sflag:s21] =	ssyncadd.s32 $0xFFFFFF80  }
.Ltmp0:
0x7c: {  	_ =	swait.ge [sflag:s29], $0x4000;
	(pc) =	sbr.rel @p4 .LBB2_2-.Ltmp0, $4  }
0x7d: {  	[sflag:s29] =	ssyncset.done $0x0  }
0x7e: {  	[sflag:s29] =	ssyncadd.s32 $0xFFFFC000  }
0x7f: {  	[tilespmem:s23], [sflag:$0x3] =	stream.indirect.gather [spmem:s2], $0x80, s3, s22, $0xb8;
	[tilespmem:$0x1B980] =	vst v63  }
0x80: {  	s9 =	sadd.s32 s9, s19;
	s6 =	sadd.s32 $0x80000, s6;
	s7 =	sadd.s32 $0x200, s7  }
0x81: {  	[hbm4b:s9+s3] =	stream.linear.scatter [tilespmem:s26], [sflag:$0x6], $0x4000, $0x38;
	[tilespmem:$0x1B980] =	vst v63  }
0x82: {  	_ =	swait.ge [sflag:s24], $0x4000  }
0x83: {  	[sflag:s24] =	ssyncset.done $0x0  }
0x84: {  	s31 =	sadd.s32 $0x1, s31;
	[sflag:s24] =	ssyncadd.s32 $0xFFFFC000  }
0x85: {  	p4 =	sne.s32 s31, s13;
	_ =	swait.ge [sflag:s30], $0x4000  }
.Ltmp1:
0x86: {  	[sflag:s30] =	ssyncset.done $0x0;
	(pc) =	sbr.rel @p4 .LBB2_1-.Ltmp1, $4  }
0x87: {  	[sflag:s30] =	ssyncadd.s32 $0xFFFFC000  }
0x88: {  	_ =	swait.ge [sflag:s25], $0x80  }
0x89: {  	[sflag:s25] =	ssyncset.done $0x0  }
0x8a: {  	[sflag:s25] =	ssyncadd.s32 $0xFFFFFF80  }
0x8b: {  	_ =	sfence.sel $0x180000  }
0x8c: {  	[bflag:$0x0] =	sbarrier.arrive $0xFFFF  }
0x8d: {  	_ =	strace $0x90000047  }
0x8e: {  	[bflag:$0x2] =	sbarrier.arrive $0xFFFF  }
0x8f: {  	p0 =	sne.s32 s1, $0x0;
	s0 =	rddreg [dreg:$0x4]  }
0x90: {  	s0 =	sadd.s32 @!p0 $0x100000, s0  }
0x91: {  	[sflag:s0] =	ssyncadd.tile.s32 @!p0 $0x1;
	_ =	shalt  }
.Lfunc_end2:
_tile_overlayer_lowered:
.L_overlay_start_2:
0x92: {  	(tag) =	ssettag $0x2  }
0x93: {  	s0 =	rddreg [dreg:$0x0];
	s2 =	stileid.u32  }
0x94: {  	s1 =	rddreg [dreg:$0x1];
	p0 =	sne.s32 s2, $0x0  }
0x95: {  	s3 =	rddreg [dreg:$0x2];
	[bflag:$0x3] =	sbarrier.arrive $0xFFFF;
	s2 =	simm.s32 @!p0 $0x1C07  }
0x96: {  	[timem:s3], [sflag:s2] =	dma.local @!p0 [hbm:s0], s1  }
0x97: {  	s0 =	simm.s32 @!p0 $0x7  }
0x98: {  	_ =	swait.ge @!p0 [sflag:s0], s1  }
0x99: {  	s1 =	ssub.s32 @!p0 $0x0, s1;
	[sflag:s0] =	ssyncset.done @!p0 $0x0  }
0x9a: {  	[sflag:s0] =	ssyncadd.s32 @!p0 s1  }
0x9b: {  	[bflag:$0x3] =	sbarrier.arrive $0xFFFF  }
0x9c: {  	_ =	shalt  }

</sc_bundles>
